<compile_context>
chip_gen: v7x
topology: tpu7x:2x2x1
jax: 0.10.2.dev20260603
libtpu: 0.0.44.dev20260713+nightly
codegen_flags: <defaults>
</compile_context>

<pallas_src>
import jax
import jax.numpy as jnp
from jax import lax
from jax.experimental import pallas as pl
from jax.experimental.pallas import tpu as pltpu
from jax.experimental.pallas import tpu_sc as plsc

B = 16384
ED = 128
NF = 128

NC = 2
NS = 16
NW = NC * NS
CHUNK = 128
N_CHUNK = B // NW // CHUNK
N_IDX_ROWS = B // CHUNK
NBUF = 6
NK = 2 * N_CHUNK


def _sc_gather_body(uid_hbm, iid_hbm, utab_hbm, itab_hbm,
                    uout_hbm, iout_hbm, idx_v, rows_v, sem_g, sem_w):
    wid = lax.axis_index("s") * NC + lax.axis_index("c")
    r0 = wid * N_CHUNK

    pltpu.sync_copy(uid_hbm.at[pl.ds(r0, N_CHUNK)],
                    idx_v.at[pl.ds(0, N_CHUNK)])
    pltpu.sync_copy(iid_hbm.at[pl.ds(r0, N_CHUNK)],
                    idx_v.at[pl.ds(N_CHUNK, N_CHUNK)])

    srcs = [utab_hbm] * N_CHUNK + [itab_hbm] * N_CHUNK

    def dst(k):
        ref = uout_hbm if k < N_CHUNK else iout_hbm
        return ref.at[r0 + (k % N_CHUNK)]

    depth = 3
    cps_g = [pltpu.async_copy(srcs[k].at[idx_v.at[k]], rows_v.at[k], sem_g)
             for k in range(depth)]
    cps_w = [None] * NK
    for k in range(NK):
        j = k + depth
        if j < NK:
            if j >= NBUF:
                cps_w[j - NBUF].wait()
            cps_g.append(pltpu.async_copy(srcs[j].at[idx_v.at[j]],
                                          rows_v.at[j % NBUF], sem_g))
        cps_g[k].wait()
        cps_w[k] = pltpu.async_copy(rows_v.at[k % NBUF], dst(k), sem_w)
    for k in range(NK - NBUF, NK):
        cps_w[k].wait()


def _sc_gather(user_ids2d, item_ids2d, user_table, item_table):
    mesh = plsc.VectorSubcoreMesh(core_axis_name="c", subcore_axis_name="s",
                                  num_cores=NC, num_subcores=NS)
    out_t = jax.ShapeDtypeStruct((N_IDX_ROWS, CHUNK, ED), jnp.float32)
    f = pl.kernel(
        _sc_gather_body,
        out_type=(out_t, out_t),
        mesh=mesh,
        scratch_types=[
            pltpu.VMEM((NK, CHUNK), jnp.int32),
            pltpu.VMEM((NBUF, CHUNK, ED), jnp.float32),
            pltpu.SemaphoreType.DMA,
            pltpu.SemaphoreType.DMA,
        ],
    )
    return f(user_ids2d, item_ids2d, user_table, item_table)


def _content_body(x_ref, w1_ref, b1_ref, w2_ref, b2_ref, w3c_ref, cw_ref):
    bf = jnp.bfloat16
    f32 = jnp.float32
    x = x_ref[...].astype(bf)
    h = jnp.maximum(
        jnp.dot(x, w1_ref[...].astype(bf),
                preferred_element_type=f32) + b1_ref[...], 0.0)
    c = jnp.dot(h.astype(bf), w2_ref[...].astype(bf),
                preferred_element_type=f32) + b2_ref[...]
    cw = jnp.dot(c.astype(bf), w3c_ref[...].astype(bf),
                 preferred_element_type=f32)
    cw_ref[...] = cw.astype(bf)


def _content(x, W1, b1, W2, b2, W3c, bs=4096):
    nblk = B // bs
    row_blk = lambda idx: (idx, 0)
    whole = lambda idx: (0, 0)
    return pl.pallas_call(
        _content_body,
        grid=(nblk,),
        in_specs=[
            pl.BlockSpec((bs, NF), row_blk),
            pl.BlockSpec((NF, ED), whole),
            pl.BlockSpec((1, ED), whole),
            pl.BlockSpec((ED, ED), whole),
            pl.BlockSpec((1, ED), whole),
            pl.BlockSpec((ED, ED), lambda idx: (2, 0)),
        ],
        out_specs=pl.BlockSpec((bs, ED), row_blk),
        out_shape=jax.ShapeDtypeStruct((B, ED), jnp.bfloat16),
    )(x, W1, b1.reshape(1, ED), W2, b2.reshape(1, ED), W3c)


def _combine_body(u_ref, i_ref, cw_ref, w3_ref, b3_ref, w4_ref, b4_ref,
                  o_ref):
    bf = jnp.bfloat16
    f32 = jnp.float32
    acc = (jnp.dot(u_ref[...].astype(bf), w3_ref[0:ED, :].astype(bf),
                   preferred_element_type=f32)
           + jnp.dot(i_ref[...].astype(bf), w3_ref[ED:2 * ED, :].astype(bf),
                     preferred_element_type=f32)
           + cw_ref[...].astype(f32)
           + b3_ref[...])
    p = jnp.maximum(acc, 0.0)
    z = jnp.dot(p.astype(bf), w4_ref[...].astype(bf),
                preferred_element_type=f32) + b4_ref[...]
    s = jax.nn.sigmoid(z)
    o_ref[...] = s.reshape(o_ref.shape)


def _combine(u, i, cw, W3, b3, W4, b4, bs=4096):
    nblk = B // bs
    row_blk = lambda idx: (idx, 0)
    whole = lambda idx: (0, 0)
    return pl.pallas_call(
        _combine_body,
        grid=(nblk,),
        in_specs=[
            pl.BlockSpec((bs, ED), row_blk),
            pl.BlockSpec((bs, ED), row_blk),
            pl.BlockSpec((bs, ED), row_blk),
            pl.BlockSpec((2 * ED, ED), whole),
            pl.BlockSpec((1, ED), whole),
            pl.BlockSpec((ED, 1), whole),
            pl.BlockSpec((1, 1), whole),
        ],
        out_specs=pl.BlockSpec((bs // 128, 128), row_blk),
        out_shape=jax.ShapeDtypeStruct((B // 128, 128), jnp.float32),
    )(u, i, cw, W3, b3.reshape(1, ED), W4, b4.reshape(1, 1))


def kernel(user_ids, item_ids, item_features, user_table, item_table,
           W1, b1, W2, b2, W3, b3, W4, b4):
    uid2 = user_ids.astype(jnp.int32).reshape(N_IDX_ROWS, CHUNK)
    iid2 = item_ids.astype(jnp.int32).reshape(N_IDX_ROWS, CHUNK)
    u3, i3 = _sc_gather(uid2, iid2, user_table, item_table)
    cw = _content(item_features, W1, b1, W2, b2, W3)
    u = u3.reshape(B, ED)
    i = i3.reshape(B, ED)
    return _combine(u, i, cw, W3, b3, W4, b4).reshape(B, 1)

# --- scband reference (transcript-rebuilt; emitter-appended) ---
"""Pipeline reference for scband-hybrid-recommender-73220602462361 (READ-ONLY COPY).

The authoritative reference and input builder live on the scoring server;
editing this copy changes nothing except your own understanding.
"""

import jax, jax.numpy as jnp
import numpy as np

B = 16384
N_USERS = 100000
N_ITEMS = 100000
ED = 128
NF = 128

def setup_inputs(seed: int = 0) -> dict:
    key = jax.random.key(seed)
    ks = jax.random.split(key, 13)
    user_ids = jax.random.randint(ks[0], (B,), 0, N_USERS, dtype=jnp.int64 if jax.config.read('jax_enable_x64') else jnp.int32)
    item_ids = jax.random.randint(ks[1], (B,), 0, N_ITEMS, dtype=jnp.int64 if jax.config.read('jax_enable_x64') else jnp.int32)
    item_features = jax.random.normal(ks[2], (B, NF), dtype=jnp.float32)
    user_table = jax.random.normal(ks[3], (N_USERS, ED), dtype=jnp.float32) * 0.02
    item_table = jax.random.normal(ks[4], (N_ITEMS, ED), dtype=jnp.float32) * 0.02
    W1 = jax.random.normal(ks[5], (NF, ED), dtype=jnp.float32) * (1.0 / np.sqrt(NF))
    b1 = jnp.zeros((ED,), dtype=jnp.float32)
    W2 = jax.random.normal(ks[6], (ED, ED), dtype=jnp.float32) * (1.0 / np.sqrt(ED))
    b2 = jnp.zeros((ED,), dtype=jnp.float32)
    W3 = jax.random.normal(ks[7], (3 * ED, ED), dtype=jnp.float32) * (1.0 / np.sqrt(3 * ED))
    b3 = jnp.zeros((ED,), dtype=jnp.float32)
    W4 = jax.random.normal(ks[8], (ED, 1), dtype=jnp.float32) * (1.0 / np.sqrt(ED))
    b4 = jnp.zeros((1,), dtype=jnp.float32)
    return {"user_ids": user_ids, "item_ids": item_ids, "item_features": item_features,
            "user_table": user_table, "item_table": item_table,
            "W1": W1, "b1": b1, "W2": W2, "b2": b2, "W3": W3, "b3": b3, "W4": W4, "b4": b4}

def reference(user_ids, item_ids, item_features, user_table, item_table, W1, b1, W2, b2, W3, b3, W4, b4):
    user_emb = jnp.take(user_table, user_ids, axis=0)
    item_emb = jnp.take(item_table, item_ids, axis=0)
    h = jnp.maximum(item_features @ W1 + b1, 0.0)
    content_emb = h @ W2 + b2  # dropout is identity in eval mode
    combined = jnp.concatenate([user_emb, item_emb, content_emb], axis=1)
    p = jnp.maximum(combined @ W3 + b3, 0.0)
    out = jax.nn.sigmoid(p @ W4 + b4)
    return out

if __name__ == "__main__":
    import jax
    _d = setup_inputs()
    print(jax.jit(kernel)(*tuple(_d.values())))

</pallas_src>

<mosaic_0001>
#map = affine_map<(d0, d1) -> (0, 0)>
#map1 = affine_map<(d0, d1) -> (0, 0, 0)>
module attributes {stable_mosaic.version = 14 : i64} {
  func.func @_sc_gather_body(%arg0: i32, %arg1: i32, %arg2: memref<128x128xi32, #tpu.memory_space<hbm>>, %arg3: memref<128x128xi32, #tpu.memory_space<hbm>>, %arg4: memref<100000x128xf32, #tpu.memory_space<hbm>>, %arg5: memref<100000x128xf32, #tpu.memory_space<hbm>>, %arg6: memref<128x128x128xf32, #tpu.memory_space<hbm>>, %arg7: memref<128x128x128xf32, #tpu.memory_space<hbm>>, %arg8: memref<8x128xi32, #tpu.memory_space<vmem>>, %arg9: memref<6x128x128xf32, #tpu.memory_space<vmem>>, %arg10: memref<!tpu.dma_semaphore, #tpu.memory_space<semaphore_mem>>, %arg11: memref<!tpu.dma_semaphore, #tpu.memory_space<semaphore_mem>>) attributes {dimension_semantics = [#tpu.dimension_semantics<core_parallel>, #tpu.dimension_semantics<subcore_parallel>], iteration_bounds = array<i64: 2, 16>, scalar_prefetch = 0 : i64, scratch_operands = 4 : i64, tpu.core_type = #tpu.core_type<sc_vector_subcore>, window_params = [{transform_indices = #map}, {transform_indices = #map}, {transform_indices = #map}, {transform_indices = #map}, {transform_indices = #map1}, {transform_indices = #map1}]} {
    %mul3A = arith.constant 2 : i32
    %mul3A_0 = arith.muli %arg1, %mul3A : i32
    %add3A = arith.addi %mul3A_0, %arg0 : i32
    %mul3A_1 = arith.constant 4 : i32
    %mul3A_2 = arith.muli %add3A, %mul3A_1 : i32
    "tpu.region"() ({
      %run_scoped3A = tpu.sem_alloc : memref<!tpu.dma_semaphore, #tpu.memory_space<semaphore_mem>>
      %dma_start3A_481 = arith.constant 0 : i32
      %dma_start3A_482 = arith.constant 0 : i32
      %dma_start3A_483 = tpu.memref_slice %arg8[%dma_start3A_481, %dma_start3A_482] : memref<8x128xi32, #tpu.memory_space<vmem>> -> memref<4x128xi32, #tpu.memory_space<vmem>>
      %dma_start3A_484 = arith.constant 0 : i32
      %dma_start3A_485 = tpu.memref_slice %arg2[%mul3A_2, %dma_start3A_484] : memref<128x128xi32, #tpu.memory_space<hbm>> -> memref<4x128xi32, #tpu.memory_space<hbm>>
      %dma_start3A_486 = arith.constant 0 : i32
      %dma_start3A_487 = arith.constant 0 : i32
      %dma_start3A_488 = tpu.memref_slice %arg8[%dma_start3A_486, %dma_start3A_487] : memref<8x128xi32, #tpu.memory_space<vmem>> -> memref<4x128xi32, #tpu.memory_space<vmem>>
      %dma_start3A_489 = arith.constant 0 : i32
      %dma_start3A_490 = tpu.memref_slice %arg2[%mul3A_2, %dma_start3A_489] : memref<128x128xi32, #tpu.memory_space<hbm>> -> memref<4x128xi32, #tpu.memory_space<hbm>>
      tpu.enqueue_dma source(%dma_start3A_490 : memref<4x128xi32, #tpu.memory_space<hbm>>) target(%dma_start3A_488 : memref<4x128xi32, #tpu.memory_space<vmem>>) target_semaphore(%run_scoped3A : memref<!tpu.dma_semaphore, #tpu.memory_space<semaphore_mem>>)
      %dma_wait3A_491 = arith.constant 0 : i32
      %dma_wait3A_492 = arith.constant 0 : i32
      %dma_wait3A_493 = tpu.memref_slice %arg8[%dma_wait3A_491, %dma_wait3A_492] : memref<8x128xi32, #tpu.memory_space<vmem>> -> memref<4x128xi32, #tpu.memory_space<vmem>>
      %dma_wait3A_494 = arith.constant 0 : i32
      %dma_wait3A_495 = tpu.memref_slice %arg2[%mul3A_2, %dma_wait3A_494] : memref<128x128xi32, #tpu.memory_space<hbm>> -> memref<4x128xi32, #tpu.memory_space<hbm>>
      %dma_wait3A_496 = arith.constant 0 : i32
      %dma_wait3A_497 = arith.constant 0 : i32
      %dma_wait3A_498 = tpu.memref_slice %arg8[%dma_wait3A_496, %dma_wait3A_497] : memref<8x128xi32, #tpu.memory_space<vmem>> -> memref<4x128xi32, #tpu.memory_space<vmem>>
      %dma_wait3A_499 = arith.constant 0 : i32
      %dma_wait3A_500 = tpu.memref_slice %arg2[%mul3A_2, %dma_wait3A_499] : memref<128x128xi32, #tpu.memory_space<hbm>> -> memref<4x128xi32, #tpu.memory_space<hbm>>
      tpu.wait_dma2 semaphore(%run_scoped3A : memref<!tpu.dma_semaphore, #tpu.memory_space<semaphore_mem>>) src(%dma_wait3A_500 : memref<4x128xi32, #tpu.memory_space<hbm>>) dst(%dma_wait3A_498 : memref<4x128xi32, #tpu.memory_space<vmem>>)
      tpu.yield
    }) : () -> ()
    "tpu.region"() ({
      %run_scoped3A = tpu.sem_alloc : memref<!tpu.dma_semaphore, #tpu.memory_space<semaphore_mem>>
      %dma_start3A_481 = arith.constant 4 : i32
      %dma_start3A_482 = arith.constant 0 : i32
      %dma_start3A_483 = tpu.memref_slice %arg8[%dma_start3A_481, %dma_start3A_482] : memref<8x128xi32, #tpu.memory_space<vmem>> -> memref<4x128xi32, #tpu.memory_space<vmem>>
      %dma_start3A_484 = arith.constant 0 : i32
      %dma_start3A_485 = tpu.memref_slice %arg3[%mul3A_2, %dma_start3A_484] : memref<128x128xi32, #tpu.memory_space<hbm>> -> memref<4x128xi32, #tpu.memory_space<hbm>>
      %dma_start3A_486 = arith.constant 4 : i32
      %dma_start3A_487 = arith.constant 0 : i32
      %dma_start3A_488 = tpu.memref_slice %arg8[%dma_start3A_486, %dma_start3A_487] : memref<8x128xi32, #tpu.memory_space<vmem>> -> memref<4x128xi32, #tpu.memory_space<vmem>>
      %dma_start3A_489 = arith.constant 0 : i32
      %dma_start3A_490 = tpu.memref_slice %arg3[%mul3A_2, %dma_start3A_489] : memref<128x128xi32, #tpu.memory_space<hbm>> -> memref<4x128xi32, #tpu.memory_space<hbm>>
      tpu.enqueue_dma source(%dma_start3A_490 : memref<4x128xi32, #tpu.memory_space<hbm>>) target(%dma_start3A_488 : memref<4x128xi32, #tpu.memory_space<vmem>>) target_semaphore(%run_scoped3A : memref<!tpu.dma_semaphore, #tpu.memory_space<semaphore_mem>>)
      %dma_wait3A_491 = arith.constant 4 : i32
      %dma_wait3A_492 = arith.constant 0 : i32
      %dma_wait3A_493 = tpu.memref_slice %arg8[%dma_wait3A_491, %dma_wait3A_492] : memref<8x128xi32, #tpu.memory_space<vmem>> -> memref<4x128xi32, #tpu.memory_space<vmem>>
      %dma_wait3A_494 = arith.constant 0 : i32
      %dma_wait3A_495 = tpu.memref_slice %arg3[%mul3A_2, %dma_wait3A_494] : memref<128x128xi32, #tpu.memory_space<hbm>> -> memref<4x128xi32, #tpu.memory_space<hbm>>
      %dma_wait3A_496 = arith.constant 4 : i32
      %dma_wait3A_497 = arith.constant 0 : i32
      %dma_wait3A_498 = tpu.memref_slice %arg8[%dma_wait3A_496, %dma_wait3A_497] : memref<8x128xi32, #tpu.memory_space<vmem>> -> memref<4x128xi32, #tpu.memory_space<vmem>>
      %dma_wait3A_499 = arith.constant 0 : i32
      %dma_wait3A_500 = tpu.memref_slice %arg3[%mul3A_2, %dma_wait3A_499] : memref<128x128xi32, #tpu.memory_space<hbm>> -> memref<4x128xi32, #tpu.memory_space<hbm>>
      tpu.wait_dma2 semaphore(%run_scoped3A : memref<!tpu.dma_semaphore, #tpu.memory_space<semaphore_mem>>) src(%dma_wait3A_500 : memref<4x128xi32, #tpu.memory_space<hbm>>) dst(%dma_wait3A_498 : memref<4x128xi32, #tpu.memory_space<vmem>>)
      tpu.yield
    }) : () -> ()
    %dma_start3A = arith.constant 0 : i32
    %dma_start3A_3 = arith.constant 0 : i32
    %dma_start3A_4 = arith.constant 0 : i32
    %dma_start3A_5 = arith.constant 0 : i32
    %dma_start3A_6 = tpu.memref_slice %arg9[%dma_start3A_3, %dma_start3A_4, %dma_start3A_5] : memref<6x128x128xf32, #tpu.memory_space<vmem>> -> memref<1x128x128xf32, #tpu.memory_space<vmem>>
    %dma_start3A_7 = tpu.memref_squeeze %dma_start3A_6 : memref<1x128x128xf32, #tpu.memory_space<vmem>> -> memref<128x128xf32, #tpu.memory_space<vmem>>
    %dma_start3A_8 = arith.constant 0 : i32
    %dma_start3A_9 = tpu.memref_slice %arg8[%dma_start3A, %dma_start3A_8] : memref<8x128xi32, #tpu.memory_space<vmem>> -> memref<1x128xi32, #tpu.memory_space<vmem>>
    %dma_start3A_10 = tpu.memref_squeeze %dma_start3A_9 : memref<1x128xi32, #tpu.memory_space<vmem>> -> memref<128xi32, #tpu.memory_space<vmem>>
    %dma_start3A_11 = arith.constant 0 : i32
    %dma_start3A_12 = arith.constant 0 : i32
    %dma_start3A_13 = tpu.memref_slice %arg4[%dma_start3A_11, %dma_start3A_12] : memref<100000x128xf32, #tpu.memory_space<hbm>> -> memref<100000x128xf32, #tpu.memory_space<hbm>>
    tpu.enqueue_indirect_dma source(%dma_start3A_13 : memref<100000x128xf32, #tpu.memory_space<hbm>>) target(%dma_start3A_7 : memref<128x128xf32, #tpu.memory_space<vmem>>) offsets(%dma_start3A_10 : memref<128xi32, #tpu.memory_space<vmem>>) semaphore(%arg10 : memref<!tpu.dma_semaphore, #tpu.memory_space<semaphore_mem>>)
    %dma_start3A_14 = arith.constant 1 : i32
    %dma_start3A_15 = arith.constant 1 : i32
    %dma_start3A_16 = arith.constant 0 : i32
    %dma_start3A_17 = arith.constant 0 : i32
    %dma_start3A_18 = tpu.memref_slice %arg9[%dma_start3A_15, %dma_start3A_16, %dma_start3A_17] : memref<6x128x128xf32, #tpu.memory_space<vmem>> -> memref<1x128x128xf32, #tpu.memory_space<vmem>>
    %dma_start3A_19 = tpu.memref_squeeze %dma_start3A_18 : memref<1x128x128xf32, #tpu.memory_space<vmem>> -> memref<128x128xf32, #tpu.memory_space<vmem>>
    %dma_start3A_20 = arith.constant 0 : i32
    %dma_start3A_21 = tpu.memref_slice %arg8[%dma_start3A_14, %dma_start3A_20] : memref<8x128xi32, #tpu.memory_space<vmem>> -> memref<1x128xi32, #tpu.memory_space<vmem>>
    %dma_start3A_22 = tpu.memref_squeeze %dma_start3A_21 : memref<1x128xi32, #tpu.memory_space<vmem>> -> memref<128xi32, #tpu.memory_space<vmem>>
    %dma_start3A_23 = arith.constant 0 : i32
    %dma_start3A_24 = arith.constant 0 : i32
    %dma_start3A_25 = tpu.memref_slice %arg4[%dma_start3A_23, %dma_start3A_24] : memref<100000x128xf32, #tpu.memory_space<hbm>> -> memref<100000x128xf32, #tpu.memory_space<hbm>>
    tpu.enqueue_indirect_dma source(%dma_start3A_25 : memref<100000x128xf32, #tpu.memory_space<hbm>>) target(%dma_start3A_19 : memref<128x128xf32, #tpu.memory_space<vmem>>) offsets(%dma_start3A_22 : memref<128xi32, #tpu.memory_space<vmem>>) semaphore(%arg10 : memref<!tpu.dma_semaphore, #tpu.memory_space<semaphore_mem>>)
    %dma_start3A_26 = arith.constant 2 : i32
    %dma_start3A_27 = arith.constant 2 : i32
    %dma_start3A_28 = arith.constant 0 : i32
    %dma_start3A_29 = arith.constant 0 : i32
    %dma_start3A_30 = tpu.memref_slice %arg9[%dma_start3A_27, %dma_start3A_28, %dma_start3A_29] : memref<6x128x128xf32, #tpu.memory_space<vmem>> -> memref<1x128x128xf32, #tpu.memory_space<vmem>>
    %dma_start3A_31 = tpu.memref_squeeze %dma_start3A_30 : memref<1x128x128xf32, #tpu.memory_space<vmem>> -> memref<128x128xf32, #tpu.memory_space<vmem>>
    %dma_start3A_32 = arith.constant 0 : i32
    %dma_start3A_33 = tpu.memref_slice %arg8[%dma_start3A_26, %dma_start3A_32] : memref<8x128xi32, #tpu.memory_space<vmem>> -> memref<1x128xi32, #tpu.memory_space<vmem>>
    %dma_start3A_34 = tpu.memref_squeeze %dma_start3A_33 : memref<1x128xi32, #tpu.memory_space<vmem>> -> memref<128xi32, #tpu.memory_space<vmem>>
    %dma_start3A_35 = arith.constant 0 : i32
    %dma_start3A_36 = arith.constant 0 : i32
    %dma_start3A_37 = tpu.memref_slice %arg4[%dma_start3A_35, %dma_start3A_36] : memref<100000x128xf32, #tpu.memory_space<hbm>> -> memref<100000x128xf32, #tpu.memory_space<hbm>>
    tpu.enqueue_indirect_dma source(%dma_start3A_37 : memref<100000x128xf32, #tpu.memory_space<hbm>>) target(%dma_start3A_31 : memref<128x128xf32, #tpu.memory_space<vmem>>) offsets(%dma_start3A_34 : memref<128xi32, #tpu.memory_space<vmem>>) semaphore(%arg10 : memref<!tpu.dma_semaphore, #tpu.memory_space<semaphore_mem>>)
    %dma_start3A_38 = arith.constant 3 : i32
    %dma_start3A_39 = arith.constant 3 : i32
    %dma_start3A_40 = arith.constant 0 : i32
    %dma_start3A_41 = arith.constant 0 : i32
    %dma_start3A_42 = tpu.memref_slice %arg9[%dma_start3A_39, %dma_start3A_40, %dma_start3A_41] : memref<6x128x128xf32, #tpu.memory_space<vmem>> -> memref<1x128x128xf32, #tpu.memory_space<vmem>>
    %dma_start3A_43 = tpu.memref_squeeze %dma_start3A_42 : memref<1x128x128xf32, #tpu.memory_space<vmem>> -> memref<128x128xf32, #tpu.memory_space<vmem>>
    %dma_start3A_44 = arith.constant 0 : i32
    %dma_start3A_45 = tpu.memref_slice %arg8[%dma_start3A_38, %dma_start3A_44] : memref<8x128xi32, #tpu.memory_space<vmem>> -> memref<1x128xi32, #tpu.memory_space<vmem>>
    %dma_start3A_46 = tpu.memref_squeeze %dma_start3A_45 : memref<1x128xi32, #tpu.memory_space<vmem>> -> memref<128xi32, #tpu.memory_space<vmem>>
    %dma_start3A_47 = arith.constant 0 : i32
    %dma_start3A_48 = arith.constant 0 : i32
    %dma_start3A_49 = tpu.memref_slice %arg4[%dma_start3A_47, %dma_start3A_48] : memref<100000x128xf32, #tpu.memory_space<hbm>> -> memref<100000x128xf32, #tpu.memory_space<hbm>>
    tpu.enqueue_indirect_dma source(%dma_start3A_49 : memref<100000x128xf32, #tpu.memory_space<hbm>>) target(%dma_start3A_43 : memref<128x128xf32, #tpu.memory_space<vmem>>) offsets(%dma_start3A_46 : memref<128xi32, #tpu.memory_space<vmem>>) semaphore(%arg10 : memref<!tpu.dma_semaphore, #tpu.memory_space<semaphore_mem>>)
    %dma_wait3A = arith.constant 0 : i32
    %dma_wait3A_50 = arith.constant 0 : i32
    %dma_wait3A_51 = arith.constant 0 : i32
    %dma_wait3A_52 = arith.constant 0 : i32
    %dma_wait3A_53 = tpu.memref_slice %arg9[%dma_wait3A_50, %dma_wait3A_51, %dma_wait3A_52] : memref<6x128x128xf32, #tpu.memory_space<vmem>> -> memref<1x128x128xf32, #tpu.memory_space<vmem>>
    %dma_wait3A_54 = tpu.memref_squeeze %dma_wait3A_53 : memref<1x128x128xf32, #tpu.memory_space<vmem>> -> memref<128x128xf32, #tpu.memory_space<vmem>>
    %dma_wait3A_55 = arith.constant 0 : i32
    %dma_wait3A_56 = tpu.memref_slice %arg8[%dma_wait3A, %dma_wait3A_55] : memref<8x128xi32, #tpu.memory_space<vmem>> -> memref<1x128xi32, #tpu.memory_space<vmem>>
    %dma_wait3A_57 = tpu.memref_squeeze %dma_wait3A_56 : memref<1x128xi32, #tpu.memory_space<vmem>> -> memref<128xi32, #tpu.memory_space<vmem>>
    %dma_wait3A_58 = arith.constant 0 : i32
    %dma_wait3A_59 = arith.constant 0 : i32
    %dma_wait3A_60 = tpu.memref_slice %arg4[%dma_wait3A_58, %dma_wait3A_59] : memref<100000x128xf32, #tpu.memory_space<hbm>> -> memref<100000x128xf32, #tpu.memory_space<hbm>>
    tpu.wait_indirect_dma semaphore(%arg10 : memref<!tpu.dma_semaphore, #tpu.memory_space<semaphore_mem>>) src(%dma_wait3A_60 : memref<100000x128xf32, #tpu.memory_space<hbm>>) dst(%dma_wait3A_54 : memref<128x128xf32, #tpu.memory_space<vmem>>)
    %add3A_61 = arith.constant 0 : i32
    %add3A_62 = arith.addi %mul3A_2, %add3A_61 : i32
    %dma_start3A_63 = arith.constant 0 : i32
    %dma_start3A_64 = arith.constant 0 : i32
    %dma_start3A_65 = arith.constant 0 : i32
    %dma_start3A_66 = tpu.memref_slice %arg9[%dma_start3A_63, %dma_start3A_64, %dma_start3A_65] : memref<6x128x128xf32, #tpu.memory_space<vmem>> -> memref<1x128x128xf32, #tpu.memory_space<vmem>>
    %dma_start3A_67 = tpu.memref_squeeze %dma_start3A_66 : memref<1x128x128xf32, #tpu.memory_space<vmem>> -> memref<128x128xf32, #tpu.memory_space<vmem>>
    %dma_start3A_68 = arith.constant 0 : i32
    %dma_start3A_69 = arith.constant 0 : i32
    %dma_start3A_70 = tpu.memref_slice %arg6[%add3A_62, %dma_start3A_68, %dma_start3A_69] : memref<128x128x128xf32, #tpu.memory_space<hbm>> -> memref<1x128x128xf32, #tpu.memory_space<hbm>>
    %dma_start3A_71 = tpu.memref_squeeze %dma_start3A_70 : memref<1x128x128xf32, #tpu.memory_space<hbm>> -> memref<128x128xf32, #tpu.memory_space<hbm>>
    %dma_start3A_72 = arith.constant 0 : i32
    %dma_start3A_73 = arith.constant 0 : i32
    %dma_start3A_74 = tpu.memref_slice %arg6[%add3A_62, %dma_start3A_72, %dma_start3A_73] : memref<128x128x128xf32, #tpu.memory_space<hbm>> -> memref<1x128x128xf32, #tpu.memory_space<hbm>>
    %dma_start3A_75 = tpu.memref_squeeze %dma_start3A_74 : memref<1x128x128xf32, #tpu.memory_space<hbm>> -> memref<128x128xf32, #tpu.memory_space<hbm>>
    %dma_start3A_76 = arith.constant 0 : i32
    %dma_start3A_77 = arith.constant 0 : i32
    %dma_start3A_78 = tpu.memref_slice %arg9[%dma_start3A_63, %dma_start3A_76, %dma_start3A_77] : memref<6x128x128xf32, #tpu.memory_space<vmem>> -> memref<1x128x128xf32, #tpu.memory_space<vmem>>
    %dma_start3A_79 = tpu.memref_squeeze %dma_start3A_78 : memref<1x128x128xf32, #tpu.memory_space<vmem>> -> memref<128x128xf32, #tpu.memory_space<vmem>>
    tpu.enqueue_dma source(%dma_start3A_79 : memref<128x128xf32, #tpu.memory_space<vmem>>) target(%dma_start3A_75 : memref<128x128xf32, #tpu.memory_space<hbm>>) target_semaphore(%arg11 : memref<!tpu.dma_semaphore, #tpu.memory_space<semaphore_mem>>)
    %dma_start3A_80 = arith.constant 4 : i32
    %dma_start3A_81 = arith.constant 4 : i32
    %dma_start3A_82 = arith.constant 0 : i32
    %dma_start3A_83 = arith.constant 0 : i32
    %dma_start3A_84 = tpu.memref_slice %arg9[%dma_start3A_81, %dma_start3A_82, %dma_start3A_83] : memref<6x128x128xf32, #tpu.memory_space<vmem>> -> memref<1x128x128xf32, #tpu.memory_space<vmem>>
    %dma_start3A_85 = tpu.memref_squeeze %dma_start3A_84 : memref<1x128x128xf32, #tpu.memory_space<vmem>> -> memref<128x128xf32, #tpu.memory_space<vmem>>
    %dma_start3A_86 = arith.constant 0 : i32
    %dma_start3A_87 = tpu.memref_slice %arg8[%dma_start3A_80, %dma_start3A_86] : memref<8x128xi32, #tpu.memory_space<vmem>> -> memref<1x128xi32, #tpu.memory_space<vmem>>
    %dma_start3A_88 = tpu.memref_squeeze %dma_start3A_87 : memref<1x128xi32, #tpu.memory_space<vmem>> -> memref<128xi32, #tpu.memory_space<vmem>>
    %dma_start3A_89 = arith.constant 0 : i32
    %dma_start3A_90 = arith.constant 0 : i32
    %dma_start3A_91 = tpu.memref_slice %arg5[%dma_start3A_89, %dma_start3A_90] : memref<100000x128xf32, #tpu.memory_space<hbm>> -> memref<100000x128xf32, #tpu.memory_space<hbm>>
    tpu.enqueue_indirect_dma source(%dma_start3A_91 : memref<100000x128xf32, #tpu.memory_space<hbm>>) target(%dma_start3A_85 : memref<128x128xf32, #tpu.memory_space<vmem>>) offsets(%dma_start3A_88 : memref<128xi32, #tpu.memory_space<vmem>>) semaphore(%arg10 : memref<!tpu.dma_semaphore, #tpu.memory_space<semaphore_mem>>)
    %dma_wait3A_92 = arith.constant 1 : i32
    %dma_wait3A_93 = arith.constant 1 : i32
    %dma_wait3A_94 = arith.constant 0 : i32
    %dma_wait3A_95 = arith.constant 0 : i32
    %dma_wait3A_96 = tpu.memref_slice %arg9[%dma_wait3A_93, %dma_wait3A_94, %dma_wait3A_95] : memref<6x128x128xf32, #tpu.memory_space<vmem>> -> memref<1x128x128xf32, #tpu.memory_space<vmem>>
    %dma_wait3A_97 = tpu.memref_squeeze %dma_wait3A_96 : memref<1x128x128xf32, #tpu.memory_space<vmem>> -> memref<128x128xf32, #tpu.memory_space<vmem>>
    %dma_wait3A_98 = arith.constant 0 : i32
    %dma_wait3A_99 = tpu.memref_slice %arg8[%dma_wait3A_92, %dma_wait3A_98] : memref<8x128xi32, #tpu.memory_space<vmem>> -> memref<1x128xi32, #tpu.memory_space<vmem>>
    %dma_wait3A_100 = tpu.memref_squeeze %dma_wait3A_99 : memref<1x128xi32, #tpu.memory_space<vmem>> -> memref<128xi32, #tpu.memory_space<vmem>>
    %dma_wait3A_101 = arith.constant 0 : i32
    %dma_wait3A_102 = arith.constant 0 : i32
    %dma_wait3A_103 = tpu.memref_slice %arg4[%dma_wait3A_101, %dma_wait3A_102] : memref<100000x128xf32, #tpu.memory_space<hbm>> -> memref<100000x128xf32, #tpu.memory_space<hbm>>
    tpu.wait_indirect_dma semaphore(%arg10 : memref<!tpu.dma_semaphore, #tpu.memory_space<semaphore_mem>>) src(%dma_wait3A_103 : memref<100000x128xf32, #tpu.memory_space<hbm>>) dst(%dma_wait3A_97 : memref<128x128xf32, #tpu.memory_space<vmem>>)
    %add3A_104 = arith.constant 1 : i32
    %add3A_105 = arith.addi %mul3A_2, %add3A_104 : i32
    %dma_start3A_106 = arith.constant 1 : i32
    %dma_start3A_107 = arith.constant 0 : i32
    %dma_start3A_108 = arith.constant 0 : i32
    %dma_start3A_109 = tpu.memref_slice %arg9[%dma_start3A_106, %dma_start3A_107, %dma_start3A_108] : memref<6x128x128xf32, #tpu.memory_space<vmem>> -> memref<1x128x128xf32, #tpu.memory_space<vmem>>
    %dma_start3A_110 = tpu.memref_squeeze %dma_start3A_109 : memref<1x128x128xf32, #tpu.memory_space<vmem>> -> memref<128x128xf32, #tpu.memory_space<vmem>>
    %dma_start3A_111 = arith.constant 0 : i32
    %dma_start3A_112 = arith.constant 0 : i32
    %dma_start3A_113 = tpu.memref_slice %arg6[%add3A_105, %dma_start3A_111, %dma_start3A_112] : memref<128x128x128xf32, #tpu.memory_space<hbm>> -> memref<1x128x128xf32, #tpu.memory_space<hbm>>
    %dma_start3A_114 = tpu.memref_squeeze %dma_start3A_113 : memref<1x128x128xf32, #tpu.memory_space<hbm>> -> memref<128x128xf32, #tpu.memory_space<hbm>>
    %dma_start3A_115 = arith.constant 0 : i32
    %dma_start3A_116 = arith.constant 0 : i32
    %dma_start3A_117 = tpu.memref_slice %arg6[%add3A_105, %dma_start3A_115, %dma_start3A_116] : memref<128x128x128xf32, #tpu.memory_space<hbm>> -> memref<1x128x128xf32, #tpu.memory_space<hbm>>
    %dma_start3A_118 = tpu.memref_squeeze %dma_start3A_117 : memref<1x128x128xf32, #tpu.memory_space<hbm>> -> memref<128x128xf32, #tpu.memory_space<hbm>>
    %dma_start3A_119 = arith.constant 0 : i32
    %dma_start3A_120 = arith.constant 0 : i32
    %dma_start3A_121 = tpu.memref_slice %arg9[%dma_start3A_106, %dma_start3A_119, %dma_start3A_120] : memref<6x128x128xf32, #tpu.memory_space<vmem>> -> memref<1x128x128xf32, #tpu.memory_space<vmem>>
    %dma_start3A_122 = tpu.memref_squeeze %dma_start3A_121 : memref<1x128x128xf32, #tpu.memory_space<vmem>> -> memref<128x128xf32, #tpu.memory_space<vmem>>
    tpu.enqueue_dma source(%dma_start3A_122 : memref<128x128xf32, #tpu.memory_space<vmem>>) target(%dma_start3A_118 : memref<128x128xf32, #tpu.memory_space<hbm>>) target_semaphore(%arg11 : memref<!tpu.dma_semaphore, #tpu.memory_space<semaphore_mem>>)
    %dma_start3A_123 = arith.constant 5 : i32
    %dma_start3A_124 = arith.constant 5 : i32
    %dma_start3A_125 = arith.constant 0 : i32
    %dma_start3A_126 = arith.constant 0 : i32
    %dma_start3A_127 = tpu.memref_slice %arg9[%dma_start3A_124, %dma_start3A_125, %dma_start3A_126] : memref<6x128x128xf32, #tpu.memory_space<vmem>> -> memref<1x128x128xf32, #tpu.memory_space<vmem>>
    %dma_start3A_128 = tpu.memref_squeeze %dma_start3A_127 : memref<1x128x128xf32, #tpu.memory_space<vmem>> -> memref<128x128xf32, #tpu.memory_space<vmem>>
    %dma_start3A_129 = arith.constant 0 : i32
    %dma_start3A_130 = tpu.memref_slice %arg8[%dma_start3A_123, %dma_start3A_129] : memref<8x128xi32, #tpu.memory_space<vmem>> -> memref<1x128xi32, #tpu.memory_space<vmem>>
    %dma_start3A_131 = tpu.memref_squeeze %dma_start3A_130 : memref<1x128xi32, #tpu.memory_space<vmem>> -> memref<128xi32, #tpu.memory_space<vmem>>
    %dma_start3A_132 = arith.constant 0 : i32
    %dma_start3A_133 = arith.constant 0 : i32
    %dma_start3A_134 = tpu.memref_slice %arg5[%dma_start3A_132, %dma_start3A_133] : memref<100000x128xf32, #tpu.memory_space<hbm>> -> memref<100000x128xf32, #tpu.memory_space<hbm>>
    tpu.enqueue_indirect_dma source(%dma_start3A_134 : memref<100000x128xf32, #tpu.memory_space<hbm>>) target(%dma_start3A_128 : memref<128x128xf32, #tpu.memory_space<vmem>>) offsets(%dma_start3A_131 : memref<128xi32, #tpu.memory_space<vmem>>) semaphore(%arg10 : memref<!tpu.dma_semaphore, #tpu.memory_space<semaphore_mem>>)
    %dma_wait3A_135 = arith.constant 2 : i32
    %dma_wait3A_136 = arith.constant 2 : i32
    %dma_wait3A_137 = arith.constant 0 : i32
    %dma_wait3A_138 = arith.constant 0 : i32
    %dma_wait3A_139 = tpu.memref_slice %arg9[%dma_wait3A_136, %dma_wait3A_137, %dma_wait3A_138] : memref<6x128x128xf32, #tpu.memory_space<vmem>> -> memref<1x128x128xf32, #tpu.memory_space<vmem>>
    %dma_wait3A_140 = tpu.memref_squeeze %dma_wait3A_139 : memref<1x128x128xf32, #tpu.memory_space<vmem>> -> memref<128x128xf32, #tpu.memory_space<vmem>>
    %dma_wait3A_141 = arith.constant 0 : i32
    %dma_wait3A_142 = tpu.memref_slice %arg8[%dma_wait3A_135, %dma_wait3A_141] : memref<8x128xi32, #tpu.memory_space<vmem>> -> memref<1x128xi32, #tpu.memory_space<vmem>>
    %dma_wait3A_143 = tpu.memref_squeeze %dma_wait3A_142 : memref<1x128xi32, #tpu.memory_space<vmem>> -> memref<128xi32, #tpu.memory_space<vmem>>
    %dma_wait3A_144 = arith.constant 0 : i32
    %dma_wait3A_145 = arith.constant 0 : i32
    %dma_wait3A_146 = tpu.memref_slice %arg4[%dma_wait3A_144, %dma_wait3A_145] : memref<100000x128xf32, #tpu.memory_space<hbm>> -> memref<100000x128xf32, #tpu.memory_space<hbm>>
    tpu.wait_indirect_dma semaphore(%arg10 : memref<!tpu.dma_semaphore, #tpu.memory_space<semaphore_mem>>) src(%dma_wait3A_146 : memref<100000x128xf32, #tpu.memory_space<hbm>>) dst(%dma_wait3A_140 : memref<128x128xf32, #tpu.memory_space<vmem>>)
    %add3A_147 = arith.constant 2 : i32
    %add3A_148 = arith.addi %mul3A_2, %add3A_147 : i32
    %dma_start3A_149 = arith.constant 2 : i32
    %dma_start3A_150 = arith.constant 0 : i32
    %dma_start3A_151 = arith.constant 0 : i32
    %dma_start3A_152 = tpu.memref_slice %arg9[%dma_start3A_149, %dma_start3A_150, %dma_start3A_151] : memref<6x128x128xf32, #tpu.memory_space<vmem>> -> memref<1x128x128xf32, #tpu.memory_space<vmem>>
    %dma_start3A_153 = tpu.memref_squeeze %dma_start3A_152 : memref<1x128x128xf32, #tpu.memory_space<vmem>> -> memref<128x128xf32, #tpu.memory_space<vmem>>
    %dma_start3A_154 = arith.constant 0 : i32
    %dma_start3A_155 = arith.constant 0 : i32
    %dma_start3A_156 = tpu.memref_slice %arg6[%add3A_148, %dma_start3A_154, %dma_start3A_155] : memref<128x128x128xf32, #tpu.memory_space<hbm>> -> memref<1x128x128xf32, #tpu.memory_space<hbm>>
    %dma_start3A_157 = tpu.memref_squeeze %dma_start3A_156 : memref<1x128x128xf32, #tpu.memory_space<hbm>> -> memref<128x128xf32, #tpu.memory_space<hbm>>
    %dma_start3A_158 = arith.constant 0 : i32
    %dma_start3A_159 = arith.constant 0 : i32
    %dma_start3A_160 = tpu.memref_slice %arg6[%add3A_148, %dma_start3A_158, %dma_start3A_159] : memref<128x128x128xf32, #tpu.memory_space<hbm>> -> memref<1x128x128xf32, #tpu.memory_space<hbm>>
    %dma_start3A_161 = tpu.memref_squeeze %dma_start3A_160 : memref<1x128x128xf32, #tpu.memory_space<hbm>> -> memref<128x128xf32, #tpu.memory_space<hbm>>
    %dma_start3A_162 = arith.constant 0 : i32
    %dma_start3A_163 = arith.constant 0 : i32
    %dma_start3A_164 = tpu.memref_slice %arg9[%dma_start3A_149, %dma_start3A_162, %dma_start3A_163] : memref<6x128x128xf32, #tpu.memory_space<vmem>> -> memref<1x128x128xf32, #tpu.memory_space<vmem>>
    %dma_start3A_165 = tpu.memref_squeeze %dma_start3A_164 : memref<1x128x128xf32, #tpu.memory_space<vmem>> -> memref<128x128xf32, #tpu.memory_space<vmem>>
    tpu.enqueue_dma source(%dma_start3A_165 : memref<128x128xf32, #tpu.memory_space<vmem>>) target(%dma_start3A_161 : memref<128x128xf32, #tpu.memory_space<hbm>>) target_semaphore(%arg11 : memref<!tpu.dma_semaphore, #tpu.memory_space<semaphore_mem>>)
    %dma_wait3A_166 = arith.constant 0 : i32
    %dma_wait3A_167 = arith.constant 0 : i32
    %dma_wait3A_168 = arith.constant 0 : i32
    %dma_wait3A_169 = tpu.memref_slice %arg9[%dma_wait3A_166, %dma_wait3A_167, %dma_wait3A_168] : memref<6x128x128xf32, #tpu.memory_space<vmem>> -> memref<1x128x128xf32, #tpu.memory_space<vmem>>
    %dma_wait3A_170 = tpu.memref_squeeze %dma_wait3A_169 : memref<1x128x128xf32, #tpu.memory_space<vmem>> -> memref<128x128xf32, #tpu.memory_space<vmem>>
    %dma_wait3A_171 = arith.constant 0 : i32
    %dma_wait3A_172 = arith.constant 0 : i32
    %dma_wait3A_173 = tpu.memref_slice %arg6[%add3A_62, %dma_wait3A_171, %dma_wait3A_172] : memref<128x128x128xf32, #tpu.memory_space<hbm>> -> memref<1x128x128xf32, #tpu.memory_space<hbm>>
    %dma_wait3A_174 = tpu.memref_squeeze %dma_wait3A_173 : memref<1x128x128xf32, #tpu.memory_space<hbm>> -> memref<128x128xf32, #tpu.memory_space<hbm>>
    %dma_wait3A_175 = arith.constant 0 : i32
    %dma_wait3A_176 = arith.constant 0 : i32
    %dma_wait3A_177 = tpu.memref_slice %arg6[%add3A_62, %dma_wait3A_175, %dma_wait3A_176] : memref<128x128x128xf32, #tpu.memory_space<hbm>> -> memref<1x128x128xf32, #tpu.memory_space<hbm>>
    %dma_wait3A_178 = tpu.memref_squeeze %dma_wait3A_177 : memref<1x128x128xf32, #tpu.memory_space<hbm>> -> memref<128x128xf32, #tpu.memory_space<hbm>>
    %dma_wait3A_179 = arith.constant 0 : i32
    %dma_wait3A_180 = arith.constant 0 : i32
    %dma_wait3A_181 = tpu.memref_slice %arg9[%dma_wait3A_166, %dma_wait3A_179, %dma_wait3A_180] : memref<6x128x128xf32, #tpu.memory_space<vmem>> -> memref<1x128x128xf32, #tpu.memory_space<vmem>>
    %dma_wait3A_182 = tpu.memref_squeeze %dma_wait3A_181 : memref<1x128x128xf32, #tpu.memory_space<vmem>> -> memref<128x128xf32, #tpu.memory_space<vmem>>
    tpu.wait_dma2 semaphore(%arg11 : memref<!tpu.dma_semaphore, #tpu.memory_space<semaphore_mem>>) src(%dma_wait3A_182 : memref<128x128xf32, #tpu.memory_space<vmem>>) dst(%dma_wait3A_178 : memref<128x128xf32, #tpu.memory_space<hbm>>)
    %dma_start3A_183 = arith.constant 6 : i32
    %dma_start3A_184 = arith.constant 0 : i32
    %dma_start3A_185 = arith.constant 0 : i32
    %dma_start3A_186 = arith.constant 0 : i32
    %dma_start3A_187 = tpu.memref_slice %arg9[%dma_start3A_184, %dma_start3A_185, %dma_start3A_186] : memref<6x128x128xf32, #tpu.memory_space<vmem>> -> memref<1x128x128xf32, #tpu.memory_space<vmem>>
    %dma_start3A_188 = tpu.memref_squeeze %dma_start3A_187 : memref<1x128x128xf32, #tpu.memory_space<vmem>> -> memref<128x128xf32, #tpu.memory_space<vmem>>
    %dma_start3A_189 = arith.constant 0 : i32
    %dma_start3A_190 = tpu.memref_slice %arg8[%dma_start3A_183, %dma_start3A_189] : memref<8x128xi32, #tpu.memory_space<vmem>> -> memref<1x128xi32, #tpu.memory_space<vmem>>
    %dma_start3A_191 = tpu.memref_squeeze %dma_start3A_190 : memref<1x128xi32, #tpu.memory_space<vmem>> -> memref<128xi32, #tpu.memory_space<vmem>>
    %dma_start3A_192 = arith.constant 0 : i32
    %dma_start3A_193 = arith.constant 0 : i32
    %dma_start3A_194 = tpu.memref_slice %arg5[%dma_start3A_192, %dma_start3A_193] : memref<100000x128xf32, #tpu.memory_space<hbm>> -> memref<100000x128xf32, #tpu.memory_space<hbm>>
    tpu.enqueue_indirect_dma source(%dma_start3A_194 : memref<100000x128xf32, #tpu.memory_space<hbm>>) target(%dma_start3A_188 : memref<128x128xf32, #tpu.memory_space<vmem>>) offsets(%dma_start3A_191 : memref<128xi32, #tpu.memory_space<vmem>>) semaphore(%arg10 : memref<!tpu.dma_semaphore, #tpu.memory_space<semaphore_mem>>)
    %dma_wait3A_195 = arith.constant 3 : i32
    %dma_wait3A_196 = arith.constant 3 : i32
    %dma_wait3A_197 = arith.constant 0 : i32
    %dma_wait3A_198 = arith.constant 0 : i32
    %dma_wait3A_199 = tpu.memref_slice %arg9[%dma_wait3A_196, %dma_wait3A_197, %dma_wait3A_198] : memref<6x128x128xf32, #tpu.memory_space<vmem>> -> memref<1x128x128xf32, #tpu.memory_space<vmem>>
    %dma_wait3A_200 = tpu.memref_squeeze %dma_wait3A_199 : memref<1x128x128xf32, #tpu.memory_space<vmem>> -> memref<128x128xf32, #tpu.memory_space<vmem>>
    %dma_wait3A_201 = arith.constant 0 : i32
    %dma_wait3A_202 = tpu.memref_slice %arg8[%dma_wait3A_195, %dma_wait3A_201] : memref<8x128xi32, #tpu.memory_space<vmem>> -> memref<1x128xi32, #tpu.memory_space<vmem>>
    %dma_wait3A_203 = tpu.memref_squeeze %dma_wait3A_202 : memref<1x128xi32, #tpu.memory_space<vmem>> -> memref<128xi32, #tpu.memory_space<vmem>>
    %dma_wait3A_204 = arith.constant 0 : i32
    %dma_wait3A_205 = arith.constant 0 : i32
    %dma_wait3A_206 = tpu.memref_slice %arg4[%dma_wait3A_204, %dma_wait3A_205] : memref<100000x128xf32, #tpu.memory_space<hbm>> -> memref<100000x128xf32, #tpu.memory_space<hbm>>
    tpu.wait_indirect_dma semaphore(%arg10 : memref<!tpu.dma_semaphore, #tpu.memory_space<semaphore_mem>>) src(%dma_wait3A_206 : memref<100000x128xf32, #tpu.memory_space<hbm>>) dst(%dma_wait3A_200 : memref<128x128xf32, #tpu.memory_space<vmem>>)
    %add3A_207 = arith.constant 3 : i32
    %add3A_208 = arith.addi %mul3A_2, %add3A_207 : i32
    %dma_start3A_209 = arith.constant 3 : i32
    %dma_start3A_210 = arith.constant 0 : i32
    %dma_start3A_211 = arith.constant 0 : i32
    %dma_start3A_212 = tpu.memref_slice %arg9[%dma_start3A_209, %dma_start3A_210, %dma_start3A_211] : memref<6x128x128xf32, #tpu.memory_space<vmem>> -> memref<1x128x128xf32, #tpu.memory_space<vmem>>
    %dma_start3A_213 = tpu.memref_squeeze %dma_start3A_212 : memref<1x128x128xf32, #tpu.memory_space<vmem>> -> memref<128x128xf32, #tpu.memory_space<vmem>>
    %dma_start3A_214 = arith.constant 0 : i32
    %dma_start3A_215 = arith.constant 0 : i32
    %dma_start3A_216 = tpu.memref_slice %arg6[%add3A_208, %dma_start3A_214, %dma_start3A_215] : memref<128x128x128xf32, #tpu.memory_space<hbm>> -> memref<1x128x128xf32, #tpu.memory_space<hbm>>
    %dma_start3A_217 = tpu.memref_squeeze %dma_start3A_216 : memref<1x128x128xf32, #tpu.memory_space<hbm>> -> memref<128x128xf32, #tpu.memory_space<hbm>>
    %dma_start3A_218 = arith.constant 0 : i32
    %dma_start3A_219 = arith.constant 0 : i32
    %dma_start3A_220 = tpu.memref_slice %arg6[%add3A_208, %dma_start3A_218, %dma_start3A_219] : memref<128x128x128xf32, #tpu.memory_space<hbm>> -> memref<1x128x128xf32, #tpu.memory_space<hbm>>
    %dma_start3A_221 = tpu.memref_squeeze %dma_start3A_220 : memref<1x128x128xf32, #tpu.memory_space<hbm>> -> memref<128x128xf32, #tpu.memory_space<hbm>>
    %dma_start3A_222 = arith.constant 0 : i32
    %dma_start3A_223 = arith.constant 0 : i32
    %dma_start3A_224 = tpu.memref_slice %arg9[%dma_start3A_209, %dma_start3A_222, %dma_start3A_223] : memref<6x128x128xf32, #tpu.memory_space<vmem>> -> memref<1x128x128xf32, #tpu.memory_space<vmem>>
    %dma_start3A_225 = tpu.memref_squeeze %dma_start3A_224 : memref<1x128x128xf32, #tpu.memory_space<vmem>> -> memref<128x128xf32, #tpu.memory_space<vmem>>
    tpu.enqueue_dma source(%dma_start3A_225 : memref<128x128xf32, #tpu.memory_space<vmem>>) target(%dma_start3A_221 : memref<128x128xf32, #tpu.memory_space<hbm>>) target_semaphore(%arg11 : memref<!tpu.dma_semaphore, #tpu.memory_space<semaphore_mem>>)
    %dma_wait3A_226 = arith.constant 1 : i32
    %dma_wait3A_227 = arith.constant 0 : i32
    %dma_wait3A_228 = arith.constant 0 : i32
    %dma_wait3A_229 = tpu.memref_slice %arg9[%dma_wait3A_226, %dma_wait3A_227, %dma_wait3A_228] : memref<6x128x128xf32, #tpu.memory_space<vmem>> -> memref<1x128x128xf32, #tpu.memory_space<vmem>>
    %dma_wait3A_230 = tpu.memref_squeeze %dma_wait3A_229 : memref<1x128x128xf32, #tpu.memory_space<vmem>> -> memref<128x128xf32, #tpu.memory_space<vmem>>
    %dma_wait3A_231 = arith.constant 0 : i32
    %dma_wait3A_232 = arith.constant 0 : i32
    %dma_wait3A_233 = tpu.memref_slice %arg6[%add3A_105, %dma_wait3A_231, %dma_wait3A_232] : memref<128x128x128xf32, #tpu.memory_space<hbm>> -> memref<1x128x128xf32, #tpu.memory_space<hbm>>
    %dma_wait3A_234 = tpu.memref_squeeze %dma_wait3A_233 : memref<1x128x128xf32, #tpu.memory_space<hbm>> -> memref<128x128xf32, #tpu.memory_space<hbm>>
    %dma_wait3A_235 = arith.constant 0 : i32
    %dma_wait3A_236 = arith.constant 0 : i32
    %dma_wait3A_237 = tpu.memref_slice %arg6[%add3A_105, %dma_wait3A_235, %dma_wait3A_236] : memref<128x128x128xf32, #tpu.memory_space<hbm>> -> memref<1x128x128xf32, #tpu.memory_space<hbm>>
    %dma_wait3A_238 = tpu.memref_squeeze %dma_wait3A_237 : memref<1x128x128xf32, #tpu.memory_space<hbm>> -> memref<128x128xf32, #tpu.memory_space<hbm>>
    %dma_wait3A_239 = arith.constant 0 : i32
    %dma_wait3A_240 = arith.constant 0 : i32
    %dma_wait3A_241 = tpu.memref_slice %arg9[%dma_wait3A_226, %dma_wait3A_239, %dma_wait3A_240] : memref<6x128x128xf32, #tpu.memory_space<vmem>> -> memref<1x128x128xf32, #tpu.memory_space<vmem>>
    %dma_wait3A_242 = tpu.memref_squeeze %dma_wait3A_241 : memref<1x128x128xf32, #tpu.memory_space<vmem>> -> memref<128x128xf32, #tpu.memory_space<vmem>>
    tpu.wait_dma2 semaphore(%arg11 : memref<!tpu.dma_semaphore, #tpu.memory_space<semaphore_mem>>) src(%dma_wait3A_242 : memref<128x128xf32, #tpu.memory_space<vmem>>) dst(%dma_wait3A_238 : memref<128x128xf32, #tpu.memory_space<hbm>>)
    %dma_start3A_243 = arith.constant 7 : i32
    %dma_start3A_244 = arith.constant 1 : i32
    %dma_start3A_245 = arith.constant 0 : i32
    %dma_start3A_246 = arith.constant 0 : i32
    %dma_start3A_247 = tpu.memref_slice %arg9[%dma_start3A_244, %dma_start3A_245, %dma_start3A_246] : memref<6x128x128xf32, #tpu.memory_space<vmem>> -> memref<1x128x128xf32, #tpu.memory_space<vmem>>
    %dma_start3A_248 = tpu.memref_squeeze %dma_start3A_247 : memref<1x128x128xf32, #tpu.memory_space<vmem>> -> memref<128x128xf32, #tpu.memory_space<vmem>>
    %dma_start3A_249 = arith.constant 0 : i32
    %dma_start3A_250 = tpu.memref_slice %arg8[%dma_start3A_243, %dma_start3A_249] : memref<8x128xi32, #tpu.memory_space<vmem>> -> memref<1x128xi32, #tpu.memory_space<vmem>>
    %dma_start3A_251 = tpu.memref_squeeze %dma_start3A_250 : memref<1x128xi32, #tpu.memory_space<vmem>> -> memref<128xi32, #tpu.memory_space<vmem>>
    %dma_start3A_252 = arith.constant 0 : i32
    %dma_start3A_253 = arith.constant 0 : i32
    %dma_start3A_254 = tpu.memref_slice %arg5[%dma_start3A_252, %dma_start3A_253] : memref<100000x128xf32, #tpu.memory_space<hbm>> -> memref<100000x128xf32, #tpu.memory_space<hbm>>
    tpu.enqueue_indirect_dma source(%dma_start3A_254 : memref<100000x128xf32, #tpu.memory_space<hbm>>) target(%dma_start3A_248 : memref<128x128xf32, #tpu.memory_space<vmem>>) offsets(%dma_start3A_251 : memref<128xi32, #tpu.memory_space<vmem>>) semaphore(%arg10 : memref<!tpu.dma_semaphore, #tpu.memory_space<semaphore_mem>>)
    %dma_wait3A_255 = arith.constant 4 : i32
    %dma_wait3A_256 = arith.constant 4 : i32
    %dma_wait3A_257 = arith.constant 0 : i32
    %dma_wait3A_258 = arith.constant 0 : i32
    %dma_wait3A_259 = tpu.memref_slice %arg9[%dma_wait3A_256, %dma_wait3A_257, %dma_wait3A_258] : memref<6x128x128xf32, #tpu.memory_space<vmem>> -> memref<1x128x128xf32, #tpu.memory_space<vmem>>
    %dma_wait3A_260 = tpu.memref_squeeze %dma_wait3A_259 : memref<1x128x128xf32, #tpu.memory_space<vmem>> -> memref<128x128xf32, #tpu.memory_space<vmem>>
    %dma_wait3A_261 = arith.constant 0 : i32
    %dma_wait3A_262 = tpu.memref_slice %arg8[%dma_wait3A_255, %dma_wait3A_261] : memref<8x128xi32, #tpu.memory_space<vmem>> -> memref<1x128xi32, #tpu.memory_space<vmem>>
    %dma_wait3A_263 = tpu.memref_squeeze %dma_wait3A_262 : memref<1x128xi32, #tpu.memory_space<vmem>> -> memref<128xi32, #tpu.memory_space<vmem>>
    %dma_wait3A_264 = arith.constant 0 : i32
    %dma_wait3A_265 = arith.constant 0 : i32
    %dma_wait3A_266 = tpu.memref_slice %arg5[%dma_wait3A_264, %dma_wait3A_265] : memref<100000x128xf32, #tpu.memory_space<hbm>> -> memref<100000x128xf32, #tpu.memory_space<hbm>>
    tpu.wait_indirect_dma semaphore(%arg10 : memref<!tpu.dma_semaphore, #tpu.memory_space<semaphore_mem>>) src(%dma_wait3A_266 : memref<100000x128xf32, #tpu.memory_space<hbm>>) dst(%dma_wait3A_260 : memref<128x128xf32, #tpu.memory_space<vmem>>)
    %add3A_267 = arith.constant 0 : i32
    %add3A_268 = arith.addi %mul3A_2, %add3A_267 : i32
    %dma_start3A_269 = arith.constant 4 : i32
    %dma_start3A_270 = arith.constant 0 : i32
    %dma_start3A_271 = arith.constant 0 : i32
    %dma_start3A_272 = tpu.memref_slice %arg9[%dma_start3A_269, %dma_start3A_270, %dma_start3A_271] : memref<6x128x128xf32, #tpu.memory_space<vmem>> -> memref<1x128x128xf32, #tpu.memory_space<vmem>>
    %dma_start3A_273 = tpu.memref_squeeze %dma_start3A_272 : memref<1x128x128xf32, #tpu.memory_space<vmem>> -> memref<128x128xf32, #tpu.memory_space<vmem>>
    %dma_start3A_274 = arith.constant 0 : i32
    %dma_start3A_275 = arith.constant 0 : i32
    %dma_start3A_276 = tpu.memref_slice %arg7[%add3A_268, %dma_start3A_274, %dma_start3A_275] : memref<128x128x128xf32, #tpu.memory_space<hbm>> -> memref<1x128x128xf32, #tpu.memory_space<hbm>>
    %dma_start3A_277 = tpu.memref_squeeze %dma_start3A_276 : memref<1x128x128xf32, #tpu.memory_space<hbm>> -> memref<128x128xf32, #tpu.memory_space<hbm>>
    %dma_start3A_278 = arith.constant 0 : i32
    %dma_start3A_279 = arith.constant 0 : i32
    %dma_start3A_280 = tpu.memref_slice %arg7[%add3A_268, %dma_start3A_278, %dma_start3A_279] : memref<128x128x128xf32, #tpu.memory_space<hbm>> -> memref<1x128x128xf32, #tpu.memory_space<hbm>>
    %dma_start3A_281 = tpu.memref_squeeze %dma_start3A_280 : memref<1x128x128xf32, #tpu.memory_space<hbm>> -> memref<128x128xf32, #tpu.memory_space<hbm>>
    %dma_start3A_282 = arith.constant 0 : i32
    %dma_start3A_283 = arith.constant 0 : i32
    %dma_start3A_284 = tpu.memref_slice %arg9[%dma_start3A_269, %dma_start3A_282, %dma_start3A_283] : memref<6x128x128xf32, #tpu.memory_space<vmem>> -> memref<1x128x128xf32, #tpu.memory_space<vmem>>
    %dma_start3A_285 = tpu.memref_squeeze %dma_start3A_284 : memref<1x128x128xf32, #tpu.memory_space<vmem>> -> memref<128x128xf32, #tpu.memory_space<vmem>>
    tpu.enqueue_dma source(%dma_start3A_285 : memref<128x128xf32, #tpu.memory_space<vmem>>) target(%dma_start3A_281 : memref<128x128xf32, #tpu.memory_space<hbm>>) target_semaphore(%arg11 : memref<!tpu.dma_semaphore, #tpu.memory_space<semaphore_mem>>)
    %dma_wait3A_286 = arith.constant 5 : i32
    %dma_wait3A_287 = arith.constant 5 : i32
    %dma_wait3A_288 = arith.constant 0 : i32
    %dma_wait3A_289 = arith.constant 0 : i32
    %dma_wait3A_290 = tpu.memref_slice %arg9[%dma_wait3A_287, %dma_wait3A_288, %dma_wait3A_289] : memref<6x128x128xf32, #tpu.memory_space<vmem>> -> memref<1x128x128xf32, #tpu.memory_space<vmem>>
    %dma_wait3A_291 = tpu.memref_squeeze %dma_wait3A_290 : memref<1x128x128xf32, #tpu.memory_space<vmem>> -> memref<128x128xf32, #tpu.memory_space<vmem>>
    %dma_wait3A_292 = arith.constant 0 : i32
    %dma_wait3A_293 = tpu.memref_slice %arg8[%dma_wait3A_286, %dma_wait3A_292] : memref<8x128xi32, #tpu.memory_space<vmem>> -> memref<1x128xi32, #tpu.memory_space<vmem>>
    %dma_wait3A_294 = tpu.memref_squeeze %dma_wait3A_293 : memref<1x128xi32, #tpu.memory_space<vmem>> -> memref<128xi32, #tpu.memory_space<vmem>>
    %dma_wait3A_295 = arith.constant 0 : i32
    %dma_wait3A_296 = arith.constant 0 : i32
    %dma_wait3A_297 = tpu.memref_slice %arg5[%dma_wait3A_295, %dma_wait3A_296] : memref<100000x128xf32, #tpu.memory_space<hbm>> -> memref<100000x128xf32, #tpu.memory_space<hbm>>
    tpu.wait_indirect_dma semaphore(%arg10 : memref<!tpu.dma_semaphore, #tpu.memory_space<semaphore_mem>>) src(%dma_wait3A_297 : memref<100000x128xf32, #tpu.memory_space<hbm>>) dst(%dma_wait3A_291 : memref<128x128xf32, #tpu.memory_space<vmem>>)
    %add3A_298 = arith.constant 1 : i32
    %add3A_299 = arith.addi %mul3A_2, %add3A_298 : i32
    %dma_start3A_300 = arith.constant 5 : i32
    %dma_start3A_301 = arith.constant 0 : i32
    %dma_start3A_302 = arith.constant 0 : i32
    %dma_start3A_303 = tpu.memref_slice %arg9[%dma_start3A_300, %dma_start3A_301, %dma_start3A_302] : memref<6x128x128xf32, #tpu.memory_space<vmem>> -> memref<1x128x128xf32, #tpu.memory_space<vmem>>
    %dma_start3A_304 = tpu.memref_squeeze %dma_start3A_303 : memref<1x128x128xf32, #tpu.memory_space<vmem>> -> memref<128x128xf32, #tpu.memory_space<vmem>>
    %dma_start3A_305 = arith.constant 0 : i32
    %dma_start3A_306 = arith.constant 0 : i32
    %dma_start3A_307 = tpu.memref_slice %arg7[%add3A_299, %dma_start3A_305, %dma_start3A_306] : memref<128x128x128xf32, #tpu.memory_space<hbm>> -> memref<1x128x128xf32, #tpu.memory_space<hbm>>
    %dma_start3A_308 = tpu.memref_squeeze %dma_start3A_307 : memref<1x128x128xf32, #tpu.memory_space<hbm>> -> memref<128x128xf32, #tpu.memory_space<hbm>>
    %dma_start3A_309 = arith.constant 0 : i32
    %dma_start3A_310 = arith.constant 0 : i32
    %dma_start3A_311 = tpu.memref_slice %arg7[%add3A_299, %dma_start3A_309, %dma_start3A_310] : memref<128x128x128xf32, #tpu.memory_space<hbm>> -> memref<1x128x128xf32, #tpu.memory_space<hbm>>
    %dma_start3A_312 = tpu.memref_squeeze %dma_start3A_311 : memref<1x128x128xf32, #tpu.memory_space<hbm>> -> memref<128x128xf32, #tpu.memory_space<hbm>>
    %dma_start3A_313 = arith.constant 0 : i32
    %dma_start3A_314 = arith.constant 0 : i32
    %dma_start3A_315 = tpu.memref_slice %arg9[%dma_start3A_300, %dma_start3A_313, %dma_start3A_314] : memref<6x128x128xf32, #tpu.memory_space<vmem>> -> memref<1x128x128xf32, #tpu.memory_space<vmem>>
    %dma_start3A_316 = tpu.memref_squeeze %dma_start3A_315 : memref<1x128x128xf32, #tpu.memory_space<vmem>> -> memref<128x128xf32, #tpu.memory_space<vmem>>
    tpu.enqueue_dma source(%dma_start3A_316 : memref<128x128xf32, #tpu.memory_space<vmem>>) target(%dma_start3A_312 : memref<128x128xf32, #tpu.memory_space<hbm>>) target_semaphore(%arg11 : memref<!tpu.dma_semaphore, #tpu.memory_space<semaphore_mem>>)
    %dma_wait3A_317 = arith.constant 6 : i32
    %dma_wait3A_318 = arith.constant 0 : i32
    %dma_wait3A_319 = arith.constant 0 : i32
    %dma_wait3A_320 = arith.constant 0 : i32
    %dma_wait3A_321 = tpu.memref_slice %arg9[%dma_wait3A_318, %dma_wait3A_319, %dma_wait3A_320] : memref<6x128x128xf32, #tpu.memory_space<vmem>> -> memref<1x128x128xf32, #tpu.memory_space<vmem>>
    %dma_wait3A_322 = tpu.memref_squeeze %dma_wait3A_321 : memref<1x128x128xf32, #tpu.memory_space<vmem>> -> memref<128x128xf32, #tpu.memory_space<vmem>>
    %dma_wait3A_323 = arith.constant 0 : i32
    %dma_wait3A_324 = tpu.memref_slice %arg8[%dma_wait3A_317, %dma_wait3A_323] : memref<8x128xi32, #tpu.memory_space<vmem>> -> memref<1x128xi32, #tpu.memory_space<vmem>>
    %dma_wait3A_325 = tpu.memref_squeeze %dma_wait3A_324 : memref<1x128xi32, #tpu.memory_space<vmem>> -> memref<128xi32, #tpu.memory_space<vmem>>
    %dma_wait3A_326 = arith.constant 0 : i32
    %dma_wait3A_327 = arith.constant 0 : i32
    %dma_wait3A_328 = tpu.memref_slice %arg5[%dma_wait3A_326, %dma_wait3A_327] : memref<100000x128xf32, #tpu.memory_space<hbm>> -> memref<100000x128xf32, #tpu.memory_space<hbm>>
    tpu.wait_indirect_dma semaphore(%arg10 : memref<!tpu.dma_semaphore, #tpu.memory_space<semaphore_mem>>) src(%dma_wait3A_328 : memref<100000x128xf32, #tpu.memory_space<hbm>>) dst(%dma_wait3A_322 : memref<128x128xf32, #tpu.memory_space<vmem>>)
    %add3A_329 = arith.constant 2 : i32
    %add3A_330 = arith.addi %mul3A_2, %add3A_329 : i32
    %dma_start3A_331 = arith.constant 0 : i32
    %dma_start3A_332 = arith.constant 0 : i32
    %dma_start3A_333 = arith.constant 0 : i32
    %dma_start3A_334 = tpu.memref_slice %arg9[%dma_start3A_331, %dma_start3A_332, %dma_start3A_333] : memref<6x128x128xf32, #tpu.memory_space<vmem>> -> memref<1x128x128xf32, #tpu.memory_space<vmem>>
    %dma_start3A_335 = tpu.memref_squeeze %dma_start3A_334 : memref<1x128x128xf32, #tpu.memory_space<vmem>> -> memref<128x128xf32, #tpu.memory_space<vmem>>
    %dma_start3A_336 = arith.constant 0 : i32
    %dma_start3A_337 = arith.constant 0 : i32
    %dma_start3A_338 = tpu.memref_slice %arg7[%add3A_330, %dma_start3A_336, %dma_start3A_337] : memref<128x128x128xf32, #tpu.memory_space<hbm>> -> memref<1x128x128xf32, #tpu.memory_space<hbm>>
    %dma_start3A_339 = tpu.memref_squeeze %dma_start3A_338 : memref<1x128x128xf32, #tpu.memory_space<hbm>> -> memref<128x128xf32, #tpu.memory_space<hbm>>
    %dma_start3A_340 = arith.constant 0 : i32
    %dma_start3A_341 = arith.constant 0 : i32
    %dma_start3A_342 = tpu.memref_slice %arg7[%add3A_330, %dma_start3A_340, %dma_start3A_341] : memref<128x128x128xf32, #tpu.memory_space<hbm>> -> memref<1x128x128xf32, #tpu.memory_space<hbm>>
    %dma_start3A_343 = tpu.memref_squeeze %dma_start3A_342 : memref<1x128x128xf32, #tpu.memory_space<hbm>> -> memref<128x128xf32, #tpu.memory_space<hbm>>
    %dma_start3A_344 = arith.constant 0 : i32
    %dma_start3A_345 = arith.constant 0 : i32
    %dma_start3A_346 = tpu.memref_slice %arg9[%dma_start3A_331, %dma_start3A_344, %dma_start3A_345] : memref<6x128x128xf32, #tpu.memory_space<vmem>> -> memref<1x128x128xf32, #tpu.memory_space<vmem>>
    %dma_start3A_347 = tpu.memref_squeeze %dma_start3A_346 : memref<1x128x128xf32, #tpu.memory_space<vmem>> -> memref<128x128xf32, #tpu.memory_space<vmem>>
    tpu.enqueue_dma source(%dma_start3A_347 : memref<128x128xf32, #tpu.memory_space<vmem>>) target(%dma_start3A_343 : memref<128x128xf32, #tpu.memory_space<hbm>>) target_semaphore(%arg11 : memref<!tpu.dma_semaphore, #tpu.memory_space<semaphore_mem>>)
    %dma_wait3A_348 = arith.constant 7 : i32
    %dma_wait3A_349 = arith.constant 1 : i32
    %dma_wait3A_350 = arith.constant 0 : i32
    %dma_wait3A_351 = arith.constant 0 : i32
    %dma_wait3A_352 = tpu.memref_slice %arg9[%dma_wait3A_349, %dma_wait3A_350, %dma_wait3A_351] : memref<6x128x128xf32, #tpu.memory_space<vmem>> -> memref<1x128x128xf32, #tpu.memory_space<vmem>>
    %dma_wait3A_353 = tpu.memref_squeeze %dma_wait3A_352 : memref<1x128x128xf32, #tpu.memory_space<vmem>> -> memref<128x128xf32, #tpu.memory_space<vmem>>
    %dma_wait3A_354 = arith.constant 0 : i32
    %dma_wait3A_355 = tpu.memref_slice %arg8[%dma_wait3A_348, %dma_wait3A_354] : memref<8x128xi32, #tpu.memory_space<vmem>> -> memref<1x128xi32, #tpu.memory_space<vmem>>
    %dma_wait3A_356 = tpu.memref_squeeze %dma_wait3A_355 : memref<1x128xi32, #tpu.memory_space<vmem>> -> memref<128xi32, #tpu.memory_space<vmem>>
    %dma_wait3A_357 = arith.constant 0 : i32
    %dma_wait3A_358 = arith.constant 0 : i32
    %dma_wait3A_359 = tpu.memref_slice %arg5[%dma_wait3A_357, %dma_wait3A_358] : memref<100000x128xf32, #tpu.memory_space<hbm>> -> memref<100000x128xf32, #tpu.memory_space<hbm>>
    tpu.wait_indirect_dma semaphore(%arg10 : memref<!tpu.dma_semaphore, #tpu.memory_space<semaphore_mem>>) src(%dma_wait3A_359 : memref<100000x128xf32, #tpu.memory_space<hbm>>) dst(%dma_wait3A_353 : memref<128x128xf32, #tpu.memory_space<vmem>>)
    %add3A_360 = arith.constant 3 : i32
    %add3A_361 = arith.addi %mul3A_2, %add3A_360 : i32
    %dma_start3A_362 = arith.constant 1 : i32
    %dma_start3A_363 = arith.constant 0 : i32
    %dma_start3A_364 = arith.constant 0 : i32
    %dma_start3A_365 = tpu.memref_slice %arg9[%dma_start3A_362, %dma_start3A_363, %dma_start3A_364] : memref<6x128x128xf32, #tpu.memory_space<vmem>> -> memref<1x128x128xf32, #tpu.memory_space<vmem>>
    %dma_start3A_366 = tpu.memref_squeeze %dma_start3A_365 : memref<1x128x128xf32, #tpu.memory_space<vmem>> -> memref<128x128xf32, #tpu.memory_space<vmem>>
    %dma_start3A_367 = arith.constant 0 : i32
    %dma_start3A_368 = arith.constant 0 : i32
    %dma_start3A_369 = tpu.memref_slice %arg7[%add3A_361, %dma_start3A_367, %dma_start3A_368] : memref<128x128x128xf32, #tpu.memory_space<hbm>> -> memref<1x128x128xf32, #tpu.memory_space<hbm>>
    %dma_start3A_370 = tpu.memref_squeeze %dma_start3A_369 : memref<1x128x128xf32, #tpu.memory_space<hbm>> -> memref<128x128xf32, #tpu.memory_space<hbm>>
    %dma_start3A_371 = arith.constant 0 : i32
    %dma_start3A_372 = arith.constant 0 : i32
    %dma_start3A_373 = tpu.memref_slice %arg7[%add3A_361, %dma_start3A_371, %dma_start3A_372] : memref<128x128x128xf32, #tpu.memory_space<hbm>> -> memref<1x128x128xf32, #tpu.memory_space<hbm>>
    %dma_start3A_374 = tpu.memref_squeeze %dma_start3A_373 : memref<1x128x128xf32, #tpu.memory_space<hbm>> -> memref<128x128xf32, #tpu.memory_space<hbm>>
    %dma_start3A_375 = arith.constant 0 : i32
    %dma_start3A_376 = arith.constant 0 : i32
    %dma_start3A_377 = tpu.memref_slice %arg9[%dma_start3A_362, %dma_start3A_375, %dma_start3A_376] : memref<6x128x128xf32, #tpu.memory_space<vmem>> -> memref<1x128x128xf32, #tpu.memory_space<vmem>>
    %dma_start3A_378 = tpu.memref_squeeze %dma_start3A_377 : memref<1x128x128xf32, #tpu.memory_space<vmem>> -> memref<128x128xf32, #tpu.memory_space<vmem>>
    tpu.enqueue_dma source(%dma_start3A_378 : memref<128x128xf32, #tpu.memory_space<vmem>>) target(%dma_start3A_374 : memref<128x128xf32, #tpu.memory_space<hbm>>) target_semaphore(%arg11 : memref<!tpu.dma_semaphore, #tpu.memory_space<semaphore_mem>>)
    %dma_wait3A_379 = arith.constant 2 : i32
    %dma_wait3A_380 = arith.constant 0 : i32
    %dma_wait3A_381 = arith.constant 0 : i32
    %dma_wait3A_382 = tpu.memref_slice %arg9[%dma_wait3A_379, %dma_wait3A_380, %dma_wait3A_381] : memref<6x128x128xf32, #tpu.memory_space<vmem>> -> memref<1x128x128xf32, #tpu.memory_space<vmem>>
    %dma_wait3A_383 = tpu.memref_squeeze %dma_wait3A_382 : memref<1x128x128xf32, #tpu.memory_space<vmem>> -> memref<128x128xf32, #tpu.memory_space<vmem>>
    %dma_wait3A_384 = arith.constant 0 : i32
    %dma_wait3A_385 = arith.constant 0 : i32
    %dma_wait3A_386 = tpu.memref_slice %arg6[%add3A_148, %dma_wait3A_384, %dma_wait3A_385] : memref<128x128x128xf32, #tpu.memory_space<hbm>> -> memref<1x128x128xf32, #tpu.memory_space<hbm>>
    %dma_wait3A_387 = tpu.memref_squeeze %dma_wait3A_386 : memref<1x128x128xf32, #tpu.memory_space<hbm>> -> memref<128x128xf32, #tpu.memory_space<hbm>>
    %dma_wait3A_388 = arith.constant 0 : i32
    %dma_wait3A_389 = arith.constant 0 : i32
    %dma_wait3A_390 = tpu.memref_slice %arg6[%add3A_148, %dma_wait3A_388, %dma_wait3A_389] : memref<128x128x128xf32, #tpu.memory_space<hbm>> -> memref<1x128x128xf32, #tpu.memory_space<hbm>>
    %dma_wait3A_391 = tpu.memref_squeeze %dma_wait3A_390 : memref<1x128x128xf32, #tpu.memory_space<hbm>> -> memref<128x128xf32, #tpu.memory_space<hbm>>
    %dma_wait3A_392 = arith.constant 0 : i32
    %dma_wait3A_393 = arith.constant 0 : i32
    %dma_wait3A_394 = tpu.memref_slice %arg9[%dma_wait3A_379, %dma_wait3A_392, %dma_wait3A_393] : memref<6x128x128xf32, #tpu.memory_space<vmem>> -> memref<1x128x128xf32, #tpu.memory_space<vmem>>
    %dma_wait3A_395 = tpu.memref_squeeze %dma_wait3A_394 : memref<1x128x128xf32, #tpu.memory_space<vmem>> -> memref<128x128xf32, #tpu.memory_space<vmem>>
    tpu.wait_dma2 semaphore(%arg11 : memref<!tpu.dma_semaphore, #tpu.memory_space<semaphore_mem>>) src(%dma_wait3A_395 : memref<128x128xf32, #tpu.memory_space<vmem>>) dst(%dma_wait3A_391 : memref<128x128xf32, #tpu.memory_space<hbm>>)
    %dma_wait3A_396 = arith.constant 3 : i32
    %dma_wait3A_397 = arith.constant 0 : i32
    %dma_wait3A_398 = arith.constant 0 : i32
    %dma_wait3A_399 = tpu.memref_slice %arg9[%dma_wait3A_396, %dma_wait3A_397, %dma_wait3A_398] : memref<6x128x128xf32, #tpu.memory_space<vmem>> -> memref<1x128x128xf32, #tpu.memory_space<vmem>>
    %dma_wait3A_400 = tpu.memref_squeeze %dma_wait3A_399 : memref<1x128x128xf32, #tpu.memory_space<vmem>> -> memref<128x128xf32, #tpu.memory_space<vmem>>
    %dma_wait3A_401 = arith.constant 0 : i32
    %dma_wait3A_402 = arith.constant 0 : i32
    %dma_wait3A_403 = tpu.memref_slice %arg6[%add3A_208, %dma_wait3A_401, %dma_wait3A_402] : memref<128x128x128xf32, #tpu.memory_space<hbm>> -> memref<1x128x128xf32, #tpu.memory_space<hbm>>
    %dma_wait3A_404 = tpu.memref_squeeze %dma_wait3A_403 : memref<1x128x128xf32, #tpu.memory_space<hbm>> -> memref<128x128xf32, #tpu.memory_space<hbm>>
    %dma_wait3A_405 = arith.constant 0 : i32
    %dma_wait3A_406 = arith.constant 0 : i32
    %dma_wait3A_407 = tpu.memref_slice %arg6[%add3A_208, %dma_wait3A_405, %dma_wait3A_406] : memref<128x128x128xf32, #tpu.memory_space<hbm>> -> memref<1x128x128xf32, #tpu.memory_space<hbm>>
    %dma_wait3A_408 = tpu.memref_squeeze %dma_wait3A_407 : memref<1x128x128xf32, #tpu.memory_space<hbm>> -> memref<128x128xf32, #tpu.memory_space<hbm>>
    %dma_wait3A_409 = arith.constant 0 : i32
    %dma_wait3A_410 = arith.constant 0 : i32
    %dma_wait3A_411 = tpu.memref_slice %arg9[%dma_wait3A_396, %dma_wait3A_409, %dma_wait3A_410] : memref<6x128x128xf32, #tpu.memory_space<vmem>> -> memref<1x128x128xf32, #tpu.memory_space<vmem>>
    %dma_wait3A_412 = tpu.memref_squeeze %dma_wait3A_411 : memref<1x128x128xf32, #tpu.memory_space<vmem>> -> memref<128x128xf32, #tpu.memory_space<vmem>>
    tpu.wait_dma2 semaphore(%arg11 : memref<!tpu.dma_semaphore, #tpu.memory_space<semaphore_mem>>) src(%dma_wait3A_412 : memref<128x128xf32, #tpu.memory_space<vmem>>) dst(%dma_wait3A_408 : memref<128x128xf32, #tpu.memory_space<hbm>>)
    %dma_wait3A_413 = arith.constant 4 : i32
    %dma_wait3A_414 = arith.constant 0 : i32
    %dma_wait3A_415 = arith.constant 0 : i32
    %dma_wait3A_416 = tpu.memref_slice %arg9[%dma_wait3A_413, %dma_wait3A_414, %dma_wait3A_415] : memref<6x128x128xf32, #tpu.memory_space<vmem>> -> memref<1x128x128xf32, #tpu.memory_space<vmem>>
    %dma_wait3A_417 = tpu.memref_squeeze %dma_wait3A_416 : memref<1x128x128xf32, #tpu.memory_space<vmem>> -> memref<128x128xf32, #tpu.memory_space<vmem>>
    %dma_wait3A_418 = arith.constant 0 : i32
    %dma_wait3A_419 = arith.constant 0 : i32
    %dma_wait3A_420 = tpu.memref_slice %arg7[%add3A_268, %dma_wait3A_418, %dma_wait3A_419] : memref<128x128x128xf32, #tpu.memory_space<hbm>> -> memref<1x128x128xf32, #tpu.memory_space<hbm>>
    %dma_wait3A_421 = tpu.memref_squeeze %dma_wait3A_420 : memref<1x128x128xf32, #tpu.memory_space<hbm>> -> memref<128x128xf32, #tpu.memory_space<hbm>>
    %dma_wait3A_422 = arith.constant 0 : i32
    %dma_wait3A_423 = arith.constant 0 : i32
    %dma_wait3A_424 = tpu.memref_slice %arg7[%add3A_268, %dma_wait3A_422, %dma_wait3A_423] : memref<128x128x128xf32, #tpu.memory_space<hbm>> -> memref<1x128x128xf32, #tpu.memory_space<hbm>>
    %dma_wait3A_425 = tpu.memref_squeeze %dma_wait3A_424 : memref<1x128x128xf32, #tpu.memory_space<hbm>> -> memref<128x128xf32, #tpu.memory_space<hbm>>
    %dma_wait3A_426 = arith.constant 0 : i32
    %dma_wait3A_427 = arith.constant 0 : i32
    %dma_wait3A_428 = tpu.memref_slice %arg9[%dma_wait3A_413, %dma_wait3A_426, %dma_wait3A_427] : memref<6x128x128xf32, #tpu.memory_space<vmem>> -> memref<1x128x128xf32, #tpu.memory_space<vmem>>
    %dma_wait3A_429 = tpu.memref_squeeze %dma_wait3A_428 : memref<1x128x128xf32, #tpu.memory_space<vmem>> -> memref<128x128xf32, #tpu.memory_space<vmem>>
    tpu.wait_dma2 semaphore(%arg11 : memref<!tpu.dma_semaphore, #tpu.memory_space<semaphore_mem>>) src(%dma_wait3A_429 : memref<128x128xf32, #tpu.memory_space<vmem>>) dst(%dma_wait3A_425 : memref<128x128xf32, #tpu.memory_space<hbm>>)
    %dma_wait3A_430 = arith.constant 5 : i32
    %dma_wait3A_431 = arith.constant 0 : i32
    %dma_wait3A_432 = arith.constant 0 : i32
    %dma_wait3A_433 = tpu.memref_slice %arg9[%dma_wait3A_430, %dma_wait3A_431, %dma_wait3A_432] : memref<6x128x128xf32, #tpu.memory_space<vmem>> -> memref<1x128x128xf32, #tpu.memory_space<vmem>>
    %dma_wait3A_434 = tpu.memref_squeeze %dma_wait3A_433 : memref<1x128x128xf32, #tpu.memory_space<vmem>> -> memref<128x128xf32, #tpu.memory_space<vmem>>
    %dma_wait3A_435 = arith.constant 0 : i32
    %dma_wait3A_436 = arith.constant 0 : i32
    %dma_wait3A_437 = tpu.memref_slice %arg7[%add3A_299, %dma_wait3A_435, %dma_wait3A_436] : memref<128x128x128xf32, #tpu.memory_space<hbm>> -> memref<1x128x128xf32, #tpu.memory_space<hbm>>
    %dma_wait3A_438 = tpu.memref_squeeze %dma_wait3A_437 : memref<1x128x128xf32, #tpu.memory_space<hbm>> -> memref<128x128xf32, #tpu.memory_space<hbm>>
    %dma_wait3A_439 = arith.constant 0 : i32
    %dma_wait3A_440 = arith.constant 0 : i32
    %dma_wait3A_441 = tpu.memref_slice %arg7[%add3A_299, %dma_wait3A_439, %dma_wait3A_440] : memref<128x128x128xf32, #tpu.memory_space<hbm>> -> memref<1x128x128xf32, #tpu.memory_space<hbm>>
    %dma_wait3A_442 = tpu.memref_squeeze %dma_wait3A_441 : memref<1x128x128xf32, #tpu.memory_space<hbm>> -> memref<128x128xf32, #tpu.memory_space<hbm>>
    %dma_wait3A_443 = arith.constant 0 : i32
    %dma_wait3A_444 = arith.constant 0 : i32
    %dma_wait3A_445 = tpu.memref_slice %arg9[%dma_wait3A_430, %dma_wait3A_443, %dma_wait3A_444] : memref<6x128x128xf32, #tpu.memory_space<vmem>> -> memref<1x128x128xf32, #tpu.memory_space<vmem>>
    %dma_wait3A_446 = tpu.memref_squeeze %dma_wait3A_445 : memref<1x128x128xf32, #tpu.memory_space<vmem>> -> memref<128x128xf32, #tpu.memory_space<vmem>>
    tpu.wait_dma2 semaphore(%arg11 : memref<!tpu.dma_semaphore, #tpu.memory_space<semaphore_mem>>) src(%dma_wait3A_446 : memref<128x128xf32, #tpu.memory_space<vmem>>) dst(%dma_wait3A_442 : memref<128x128xf32, #tpu.memory_space<hbm>>)
    %dma_wait3A_447 = arith.constant 0 : i32
    %dma_wait3A_448 = arith.constant 0 : i32
    %dma_wait3A_449 = arith.constant 0 : i32
    %dma_wait3A_450 = tpu.memref_slice %arg9[%dma_wait3A_447, %dma_wait3A_448, %dma_wait3A_449] : memref<6x128x128xf32, #tpu.memory_space<vmem>> -> memref<1x128x128xf32, #tpu.memory_space<vmem>>
    %dma_wait3A_451 = tpu.memref_squeeze %dma_wait3A_450 : memref<1x128x128xf32, #tpu.memory_space<vmem>> -> memref<128x128xf32, #tpu.memory_space<vmem>>
    %dma_wait3A_452 = arith.constant 0 : i32
    %dma_wait3A_453 = arith.constant 0 : i32
    %dma_wait3A_454 = tpu.memref_slice %arg7[%add3A_330, %dma_wait3A_452, %dma_wait3A_453] : memref<128x128x128xf32, #tpu.memory_space<hbm>> -> memref<1x128x128xf32, #tpu.memory_space<hbm>>
    %dma_wait3A_455 = tpu.memref_squeeze %dma_wait3A_454 : memref<1x128x128xf32, #tpu.memory_space<hbm>> -> memref<128x128xf32, #tpu.memory_space<hbm>>
    %dma_wait3A_456 = arith.constant 0 : i32
    %dma_wait3A_457 = arith.constant 0 : i32
    %dma_wait3A_458 = tpu.memref_slice %arg7[%add3A_330, %dma_wait3A_456, %dma_wait3A_457] : memref<128x128x128xf32, #tpu.memory_space<hbm>> -> memref<1x128x128xf32, #tpu.memory_space<hbm>>
    %dma_wait3A_459 = tpu.memref_squeeze %dma_wait3A_458 : memref<1x128x128xf32, #tpu.memory_space<hbm>> -> memref<128x128xf32, #tpu.memory_space<hbm>>
    %dma_wait3A_460 = arith.constant 0 : i32
    %dma_wait3A_461 = arith.constant 0 : i32
    %dma_wait3A_462 = tpu.memref_slice %arg9[%dma_wait3A_447, %dma_wait3A_460, %dma_wait3A_461] : memref<6x128x128xf32, #tpu.memory_space<vmem>> -> memref<1x128x128xf32, #tpu.memory_space<vmem>>
    %dma_wait3A_463 = tpu.memref_squeeze %dma_wait3A_462 : memref<1x128x128xf32, #tpu.memory_space<vmem>> -> memref<128x128xf32, #tpu.memory_space<vmem>>
    tpu.wait_dma2 semaphore(%arg11 : memref<!tpu.dma_semaphore, #tpu.memory_space<semaphore_mem>>) src(%dma_wait3A_463 : memref<128x128xf32, #tpu.memory_space<vmem>>) dst(%dma_wait3A_459 : memref<128x128xf32, #tpu.memory_space<hbm>>)
    %dma_wait3A_464 = arith.constant 1 : i32
    %dma_wait3A_465 = arith.constant 0 : i32
    %dma_wait3A_466 = arith.constant 0 : i32
    %dma_wait3A_467 = tpu.memref_slice %arg9[%dma_wait3A_464, %dma_wait3A_465, %dma_wait3A_466] : memref<6x128x128xf32, #tpu.memory_space<vmem>> -> memref<1x128x128xf32, #tpu.memory_space<vmem>>
    %dma_wait3A_468 = tpu.memref_squeeze %dma_wait3A_467 : memref<1x128x128xf32, #tpu.memory_space<vmem>> -> memref<128x128xf32, #tpu.memory_space<vmem>>
    %dma_wait3A_469 = arith.constant 0 : i32
    %dma_wait3A_470 = arith.constant 0 : i32
    %dma_wait3A_471 = tpu.memref_slice %arg7[%add3A_361, %dma_wait3A_469, %dma_wait3A_470] : memref<128x128x128xf32, #tpu.memory_space<hbm>> -> memref<1x128x128xf32, #tpu.memory_space<hbm>>
    %dma_wait3A_472 = tpu.memref_squeeze %dma_wait3A_471 : memref<1x128x128xf32, #tpu.memory_space<hbm>> -> memref<128x128xf32, #tpu.memory_space<hbm>>
    %dma_wait3A_473 = arith.constant 0 : i32
    %dma_wait3A_474 = arith.constant 0 : i32
    %dma_wait3A_475 = tpu.memref_slice %arg7[%add3A_361, %dma_wait3A_473, %dma_wait3A_474] : memref<128x128x128xf32, #tpu.memory_space<hbm>> -> memref<1x128x128xf32, #tpu.memory_space<hbm>>
    %dma_wait3A_476 = tpu.memref_squeeze %dma_wait3A_475 : memref<1x128x128xf32, #tpu.memory_space<hbm>> -> memref<128x128xf32, #tpu.memory_space<hbm>>
    %dma_wait3A_477 = arith.constant 0 : i32
    %dma_wait3A_478 = arith.constant 0 : i32
    %dma_wait3A_479 = tpu.memref_slice %arg9[%dma_wait3A_464, %dma_wait3A_477, %dma_wait3A_478] : memref<6x128x128xf32, #tpu.memory_space<vmem>> -> memref<1x128x128xf32, #tpu.memory_space<vmem>>
    %dma_wait3A_480 = tpu.memref_squeeze %dma_wait3A_479 : memref<1x128x128xf32, #tpu.memory_space<vmem>> -> memref<128x128xf32, #tpu.memory_space<vmem>>
    tpu.wait_dma2 semaphore(%arg11 : memref<!tpu.dma_semaphore, #tpu.memory_space<semaphore_mem>>) src(%dma_wait3A_480 : memref<128x128xf32, #tpu.memory_space<vmem>>) dst(%dma_wait3A_476 : memref<128x128xf32, #tpu.memory_space<hbm>>)
    return
  }
}

module attributes {stable_mosaic.version = 14 : i64} {
  func.func @_content_body(%arg0: i32, %arg1: memref<4096x128xf32, #tpu.memory_space<vmem>>, %arg2: memref<128x128xf32, #tpu.memory_space<vmem>>, %arg3: memref<1x128xf32, #tpu.memory_space<vmem>>, %arg4: memref<128x128xf32, #tpu.memory_space<vmem>>, %arg5: memref<1x128xf32, #tpu.memory_space<vmem>>, %arg6: memref<128x128xf32, #tpu.memory_space<vmem>>, %arg7: memref<4096x128xbf16, #tpu.memory_space<vmem>>) attributes {dimension_semantics = [#tpu.dimension_semantics<arbitrary>], iteration_bounds = array<i64: 4>, scalar_prefetch = 0 : i64, scratch_operands = 0 : i64, tpu.core_type = #tpu.core_type<tc>, window_params = [{transform_indices = @transform_0, window_bounds = array<i64: 4096, 128>}, {pipeline_mode = #tpu.pipeline_mode<synchronous>, transform_indices = @transform_1, window_bounds = array<i64: 128, 128>}, {pipeline_mode = #tpu.pipeline_mode<synchronous>, transform_indices = @transform_2, window_bounds = array<i64: 1, 128>}, {pipeline_mode = #tpu.pipeline_mode<synchronous>, transform_indices = @transform_3, window_bounds = array<i64: 128, 128>}, {pipeline_mode = #tpu.pipeline_mode<synchronous>, transform_indices = @transform_4, window_bounds = array<i64: 1, 128>}, {transform_indices = @transform_5, window_bounds = array<i64: 128, 128>}, {transform_indices = @transform_6, window_bounds = array<i64: 4096, 128>}]} {
    %get3A = arith.constant 0 : index
    %get3A_0 = arith.constant 0 : index
    %get3A_1 = vector.load %arg1[%get3A, %get3A_0] : memref<4096x128xf32, #tpu.memory_space<vmem>>, vector<4096x128xf32>
    %convert_element_type3A = arith.truncf %get3A_1 : vector<4096x128xf32> to vector<4096x128xbf16>
    %get3A_2 = arith.constant 0 : index
    %get3A_3 = arith.constant 0 : index
    %get3A_4 = vector.load %arg2[%get3A_2, %get3A_3] : memref<128x128xf32, #tpu.memory_space<vmem>>, vector<128x128xf32>
    %convert_element_type3A_5 = arith.truncf %get3A_4 : vector<128x128xf32> to vector<128x128xbf16>
    %dot_general3A = arith.constant dense<0.000000e+00> : vector<4096x128xf32>
    %dot_general3A_6 = tpu.matmul %convert_element_type3A, %convert_element_type3A_5, %dot_general3A {dimension_numbers = #tpu.dot_dimension_numbers<[1], [0], [0], [1], [0, 0, 1, 1], [], []>, transpose_lhs_hint = false} : vector<4096x128xbf16>, vector<128x128xbf16>, vector<4096x128xf32> -> vector<4096x128xf32>
    %get3A_7 = arith.constant 0 : index
    %get3A_8 = arith.constant 0 : index
    %get3A_9 = vector.load %arg3[%get3A_7, %get3A_8] : memref<1x128xf32, #tpu.memory_space<vmem>>, vector<1x128xf32>
    %add3A = vector.broadcast %get3A_9 : vector<1x128xf32> to vector<4096x128xf32>
    %add3A_10 = arith.addf %dot_general3A_6, %add3A : vector<4096x128xf32>
    %max3A = arith.constant 0.000000e+00 : f32
    %max3A_11 = vector.broadcast %max3A : f32 to vector<4096x128xf32>
    %max3A_12 = arith.maximumf %add3A_10, %max3A_11 : vector<4096x128xf32>
    %convert_element_type3A_13 = arith.truncf %max3A_12 : vector<4096x128xf32> to vector<4096x128xbf16>
    %get3A_14 = arith.constant 0 : index
    %get3A_15 = arith.constant 0 : index
    %get3A_16 = vector.load %arg4[%get3A_14, %get3A_15] : memref<128x128xf32, #tpu.memory_space<vmem>>, vector<128x128xf32>
    %convert_element_type3A_17 = arith.truncf %get3A_16 : vector<128x128xf32> to vector<128x128xbf16>
    %dot_general3A_18 = arith.constant dense<0.000000e+00> : vector<4096x128xf32>
    %dot_general3A_19 = tpu.matmul %convert_element_type3A_13, %convert_element_type3A_17, %dot_general3A_18 {dimension_numbers = #tpu.dot_dimension_numbers<[1], [0], [0], [1], [0, 0, 1, 1], [], []>, transpose_lhs_hint = false} : vector<4096x128xbf16>, vector<128x128xbf16>, vector<4096x128xf32> -> vector<4096x128xf32>
    %get3A_20 = arith.constant 0 : index
    %get3A_21 = arith.constant 0 : index
    %get3A_22 = vector.load %arg5[%get3A_20, %get3A_21] : memref<1x128xf32, #tpu.memory_space<vmem>>, vector<1x128xf32>
    %add3A_23 = vector.broadcast %get3A_22 : vector<1x128xf32> to vector<4096x128xf32>
    %add3A_24 = arith.addf %dot_general3A_19, %add3A_23 : vector<4096x128xf32>
    %convert_element_type3A_25 = arith.truncf %add3A_24 : vector<4096x128xf32> to vector<4096x128xbf16>
    %get3A_26 = arith.constant 0 : index
    %get3A_27 = arith.constant 0 : index
    %get3A_28 = vector.load %arg6[%get3A_26, %get3A_27] : memref<128x128xf32, #tpu.memory_space<vmem>>, vector<128x128xf32>
    %convert_element_type3A_29 = arith.truncf %get3A_28 : vector<128x128xf32> to vector<128x128xbf16>
    %dot_general3A_30 = arith.constant dense<0.000000e+00> : vector<4096x128xf32>
    %dot_general3A_31 = tpu.matmul %convert_element_type3A_25, %convert_element_type3A_29, %dot_general3A_30 {dimension_numbers = #tpu.dot_dimension_numbers<[1], [0], [0], [1], [0, 0, 1, 1], [], []>, transpose_lhs_hint = false} : vector<4096x128xbf16>, vector<128x128xbf16>, vector<4096x128xf32> -> vector<4096x128xf32>
    %convert_element_type3A_32 = arith.truncf %dot_general3A_31 : vector<4096x128xf32> to vector<4096x128xbf16>
    %swap3A = arith.constant 0 : index
    %swap3A_33 = arith.constant 0 : index
    %swap3A_34 = vector.load %arg7[%swap3A, %swap3A_33] : memref<4096x128xbf16, #tpu.memory_space<vmem>>, vector<4096x128xbf16>
    tpu.vector_store %arg7[%swap3A, %swap3A_33], %convert_element_type3A_32 {strides = array<i32>} : memref<4096x128xbf16, #tpu.memory_space<vmem>>, vector<4096x128xbf16>,
    return
  }
  func.func @transform_0(%arg0: i32) -> (i32, i32) {
    %c0_i32 = arith.constant 0 : i32
    %c0_i32_0 = arith.constant 0 : i32
    return %arg0, %c0_i32 : i32, i32
  }
  func.func @transform_1(%arg0: i32) -> (i32, i32) {
    %c0_i32 = arith.constant 0 : i32
    %c0_i32_0 = arith.constant 0 : i32
    %c0_i32_1 = arith.constant 0 : i32
    return %c0_i32, %c0_i32_0 : i32, i32
  }
  func.func @transform_2(%arg0: i32) -> (i32, i32) {
    %c0_i32 = arith.constant 0 : i32
    %c0_i32_0 = arith.constant 0 : i32
    %c0_i32_1 = arith.constant 0 : i32
    return %c0_i32, %c0_i32_0 : i32, i32
  }
  func.func @transform_3(%arg0: i32) -> (i32, i32) {
    %c0_i32 = arith.constant 0 : i32
    %c0_i32_0 = arith.constant 0 : i32
    %c0_i32_1 = arith.constant 0 : i32
    return %c0_i32, %c0_i32_0 : i32, i32
  }
  func.func @transform_4(%arg0: i32) -> (i32, i32) {
    %c0_i32 = arith.constant 0 : i32
    %c0_i32_0 = arith.constant 0 : i32
    %c0_i32_1 = arith.constant 0 : i32
    return %c0_i32, %c0_i32_0 : i32, i32
  }
  func.func @transform_5(%arg0: i32) -> (i32, i32) {
    %c2_i32 = arith.constant 2 : i32
    %c0_i32 = arith.constant 0 : i32
    %c0_i32_0 = arith.constant 0 : i32
    return %c2_i32, %c0_i32 : i32, i32
  }
  func.func @transform_6(%arg0: i32) -> (i32, i32) {
    %c0_i32 = arith.constant 0 : i32
    %c0_i32_0 = arith.constant 0 : i32
    return %arg0, %c0_i32 : i32, i32
  }
}

module attributes {stable_mosaic.version = 14 : i64} {
  func.func @_combine_body(%arg0: i32, %arg1: memref<4096x128xf32, #tpu.memory_space<vmem>>, %arg2: memref<4096x128xf32, #tpu.memory_space<vmem>>, %arg3: memref<4096x128xbf16, #tpu.memory_space<vmem>>, %arg4: memref<256x128xf32, #tpu.memory_space<vmem>>, %arg5: memref<1x128xf32, #tpu.memory_space<vmem>>, %arg6: memref<128x1xf32, #tpu.memory_space<vmem>>, %arg7: memref<1x1xf32, #tpu.memory_space<vmem>>, %arg8: memref<32x128xf32, #tpu.memory_space<vmem>>) attributes {dimension_semantics = [#tpu.dimension_semantics<arbitrary>], iteration_bounds = array<i64: 4>, scalar_prefetch = 0 : i64, scratch_operands = 0 : i64, tpu.core_type = #tpu.core_type<tc>, window_params = [{transform_indices = @transform_0, window_bounds = array<i64: 4096, 128>}, {transform_indices = @transform_1, window_bounds = array<i64: 4096, 128>}, {transform_indices = @transform_2, window_bounds = array<i64: 4096, 128>}, {transform_indices = @transform_3, window_bounds = array<i64: 256, 128>}, {pipeline_mode = #tpu.pipeline_mode<synchronous>, transform_indices = @transform_4, window_bounds = array<i64: 1, 128>}, {pipeline_mode = #tpu.pipeline_mode<synchronous>, transform_indices = @transform_5, window_bounds = array<i64: 128, 1>}, {pipeline_mode = #tpu.pipeline_mode<synchronous>, transform_indices = @transform_6, window_bounds = array<i64: 1, 1>}, {transform_indices = @transform_7, window_bounds = array<i64: 32, 128>}]} {
    %get3A = arith.constant 0 : index
    %get3A_0 = arith.constant 0 : index
    %get3A_1 = vector.load %arg1[%get3A, %get3A_0] : memref<4096x128xf32, #tpu.memory_space<vmem>>, vector<4096x128xf32>
    %convert_element_type3A = arith.truncf %get3A_1 : vector<4096x128xf32> to vector<4096x128xbf16>
    %get3A_2 = arith.constant 0 : index
    %get3A_3 = arith.constant 0 : index
    %get3A_4 = vector.load %arg4[%get3A_2, %get3A_3] : memref<256x128xf32, #tpu.memory_space<vmem>>, vector<128x128xf32>
    %convert_element_type3A_5 = arith.truncf %get3A_4 : vector<128x128xf32> to vector<128x128xbf16>
    %dot_general3A = arith.constant dense<0.000000e+00> : vector<4096x128xf32>
    %dot_general3A_6 = tpu.matmul %convert_element_type3A, %convert_element_type3A_5, %dot_general3A {dimension_numbers = #tpu.dot_dimension_numbers<[1], [0], [0], [1], [0, 0, 1, 1], [], []>, transpose_lhs_hint = false} : vector<4096x128xbf16>, vector<128x128xbf16>, vector<4096x128xf32> -> vector<4096x128xf32>
    %get3A_7 = arith.constant 0 : index
    %get3A_8 = arith.constant 0 : index
    %get3A_9 = vector.load %arg2[%get3A_7, %get3A_8] : memref<4096x128xf32, #tpu.memory_space<vmem>>, vector<4096x128xf32>
    %convert_element_type3A_10 = arith.truncf %get3A_9 : vector<4096x128xf32> to vector<4096x128xbf16>
    %get3A_11 = arith.constant 128 : index
    %get3A_12 = arith.constant 0 : index
    %get3A_13 = vector.load %arg4[%get3A_11, %get3A_12] : memref<256x128xf32, #tpu.memory_space<vmem>>, vector<128x128xf32>
    %convert_element_type3A_14 = arith.truncf %get3A_13 : vector<128x128xf32> to vector<128x128xbf16>
    %dot_general3A_15 = arith.constant dense<0.000000e+00> : vector<4096x128xf32>
    %dot_general3A_16 = tpu.matmul %convert_element_type3A_10, %convert_element_type3A_14, %dot_general3A_15 {dimension_numbers = #tpu.dot_dimension_numbers<[1], [0], [0], [1], [0, 0, 1, 1], [], []>, transpose_lhs_hint = false} : vector<4096x128xbf16>, vector<128x128xbf16>, vector<4096x128xf32> -> vector<4096x128xf32>
    %add3A = arith.addf %dot_general3A_6, %dot_general3A_16 : vector<4096x128xf32>
    %get3A_17 = arith.constant 0 : index
    %get3A_18 = arith.constant 0 : index
    %get3A_19 = vector.load %arg3[%get3A_17, %get3A_18] : memref<4096x128xbf16, #tpu.memory_space<vmem>>, vector<4096x128xbf16>
    %convert_element_type3A_20 = arith.extf %get3A_19 : vector<4096x128xbf16> to vector<4096x128xf32>
    %add3A_21 = arith.addf %add3A, %convert_element_type3A_20 : vector<4096x128xf32>
    %get3A_22 = arith.constant 0 : index
    %get3A_23 = arith.constant 0 : index
    %get3A_24 = vector.load %arg5[%get3A_22, %get3A_23] : memref<1x128xf32, #tpu.memory_space<vmem>>, vector<1x128xf32>
    %add3A_25 = vector.broadcast %get3A_24 : vector<1x128xf32> to vector<4096x128xf32>
    %add3A_26 = arith.addf %add3A_21, %add3A_25 : vector<4096x128xf32>
    %max3A = arith.constant 0.000000e+00 : f32
    %max3A_27 = vector.broadcast %max3A : f32 to vector<4096x128xf32>
    %max3A_28 = arith.maximumf %add3A_26, %max3A_27 : vector<4096x128xf32>
    %convert_element_type3A_29 = arith.truncf %max3A_28 : vector<4096x128xf32> to vector<4096x128xbf16>
    %get3A_30 = arith.constant 0 : index
    %get3A_31 = arith.constant 0 : index
    %get3A_32 = vector.load %arg6[%get3A_30, %get3A_31] : memref<128x1xf32, #tpu.memory_space<vmem>>, vector<128x1xf32>
    %convert_element_type3A_33 = arith.truncf %get3A_32 : vector<128x1xf32> to vector<128x1xbf16>
    %dot_general3A_34 = arith.constant dense<0.000000e+00> : vector<4096x1xf32>
    %dot_general3A_35 = tpu.matmul %convert_element_type3A_29, %convert_element_type3A_33, %dot_general3A_34 {dimension_numbers = #tpu.dot_dimension_numbers<[1], [0], [0], [1], [0, 0, 1, 1], [], []>, transpose_lhs_hint = false} : vector<4096x128xbf16>, vector<128x1xbf16>, vector<4096x1xf32> -> vector<4096x1xf32>
    %get3A_36 = arith.constant 0 : index
    %get3A_37 = arith.constant 0 : index
    %get3A_38 = vector.load %arg7[%get3A_36, %get3A_37] : memref<1x1xf32, #tpu.memory_space<vmem>>, vector<1x1xf32>
    %add3A_39 = vector.broadcast %get3A_38 : vector<1x1xf32> to vector<4096x1xf32>
    %add3A_40 = arith.addf %dot_general3A_35, %add3A_39 : vector<4096x1xf32>
    %logistic3A = arith.negf %add3A_40 : vector<4096x1xf32>
    %logistic3A_41 = math.exp %logistic3A : vector<4096x1xf32>
    %logistic3A_42 = arith.constant 1.000000e+00 : f32
    %logistic3A_43 = vector.broadcast %logistic3A_42 : f32 to vector<4096x1xf32>
    %logistic3A_44 = arith.addf %logistic3A_43, %logistic3A_41 : vector<4096x1xf32>
    %logistic3A_45 = arith.divf %logistic3A_43, %logistic3A_44 : vector<4096x1xf32>
    %reshape3A = vector.shape_cast %logistic3A_45 : vector<4096x1xf32> to vector<32x128xf32>
    %swap3A = arith.constant 0 : index
    %swap3A_46 = arith.constant 0 : index
    %swap3A_47 = vector.load %arg8[%swap3A, %swap3A_46] : memref<32x128xf32, #tpu.memory_space<vmem>>, vector<32x128xf32>
    tpu.vector_store %arg8[%swap3A, %swap3A_46], %reshape3A {strides = array<i32>} : memref<32x128xf32, #tpu.memory_space<vmem>>, vector<32x128xf32>,
    return
  }
  func.func @transform_0(%arg0: i32) -> (i32, i32) {
    %c0_i32 = arith.constant 0 : i32
    %c0_i32_0 = arith.constant 0 : i32
    return %arg0, %c0_i32 : i32, i32
  }
  func.func @transform_1(%arg0: i32) -> (i32, i32) {
    %c0_i32 = arith.constant 0 : i32
    %c0_i32_0 = arith.constant 0 : i32
    return %arg0, %c0_i32 : i32, i32
  }
  func.func @transform_2(%arg0: i32) -> (i32, i32) {
    %c0_i32 = arith.constant 0 : i32
    %c0_i32_0 = arith.constant 0 : i32
    return %arg0, %c0_i32 : i32, i32
  }
  func.func @transform_3(%arg0: i32) -> (i32, i32) {
    %c0_i32 = arith.constant 0 : i32
    %c0_i32_0 = arith.constant 0 : i32
    %c0_i32_1 = arith.constant 0 : i32
    return %c0_i32, %c0_i32_0 : i32, i32
  }
  func.func @transform_4(%arg0: i32) -> (i32, i32) {
    %c0_i32 = arith.constant 0 : i32
    %c0_i32_0 = arith.constant 0 : i32
    %c0_i32_1 = arith.constant 0 : i32
    return %c0_i32, %c0_i32_0 : i32, i32
  }
  func.func @transform_5(%arg0: i32) -> (i32, i32) {
    %c0_i32 = arith.constant 0 : i32
    %c0_i32_0 = arith.constant 0 : i32
    %c0_i32_1 = arith.constant 0 : i32
    return %c0_i32, %c0_i32_0 : i32, i32
  }
  func.func @transform_6(%arg0: i32) -> (i32, i32) {
    %c0_i32 = arith.constant 0 : i32
    %c0_i32_0 = arith.constant 0 : i32
    %c0_i32_1 = arith.constant 0 : i32
    return %c0_i32, %c0_i32_0 : i32, i32
  }
  func.func @transform_7(%arg0: i32) -> (i32, i32) {
    %c0_i32 = arith.constant 0 : i32
    %c0_i32_0 = arith.constant 0 : i32
    return %arg0, %c0_i32 : i32, i32
  }
}

</mosaic_0001>

<sc_bundles>
// kernel: kernel.5.cloned.1.call-start
scs
__scs_entry_jumppad:
0x0: {  	(pc) =	sbr.rel $0x88, $3  }
0x1: {  	(tag) =	ssettag $0x0;
	lr =	simm.s32 $0x1  }
0x2: {  	[smem:$0x3F94] =	sst lr;
	_ =	strace $0xD0000000  }
0x3: {  	_ = 	snop  }
0x4: {  	_ = 	snop  }
0x5: {  	_ = 	snop  }
0x6: {  	_ = 	snop  }
0x7: {  	_ = 	snop  }
__scs_overlays_trampoline_lowered:
0x8: {  	[smem:$0x3FA3] =	sst s0  }
0x9: {  	[smem:$0x3FA4] =	sst s1  }
0xa: {  	[smem:$0x3FA5] =	sst s2  }
0xb: {  	[smem:$0x3FA6] =	sst s3  }
0xc: {  	[smem:$0x3FA7] =	sst s4  }
0xd: {  	[smem:$0x3FA8] =	sst s5  }
0xe: {  	[smem:$0x3FA9] =	sst s6  }
0xf: {  	[smem:$0x3FAA] =	sst s7  }
0x10: {  	[smem:$0x3FAB] =	sst s8  }
0x11: {  	[smem:$0x3FAC] =	sst s9;
	s0 =	simm.s32 @!p0 $0x0  }
0x12: {  	s1 =	sld [smem:$0x3F92];
	s0 =	simm.s32 @p0 $0x1  }
0x13: {  	[smem:$0x3FAD] =	sst s0;
	s0 =	simm.s32 @!p1 $0x0  }
0x14: {  	s2 =	sld [smem:$0x3F91];
	s0 =	simm.s32 @p1 $0x1  }
0x15: {  	[smem:$0x3FAE] =	sst s0;
	s0 =	simm.s32 @!p2 $0x0  }
0x16: {  	s3 =	sld [smem:$0x3FDB];
	s0 =	simm.s32 @p2 $0x1  }
0x17: {  	s4 =	simm.s32 $0x1BF5;
	[smem:$0x3FB0] =	sst s0  }
0x18: {  	s0 =	sld [smem:$0x3F93];
	_ =	swait.ge [sflag:s4], $0x0  }
0x19: {  	s7 =	sld [smem:$0x3F94]  }
0x1a: {  	s8 =	sadd.s32 $0xFFFFE003, lr  }
0x1b: {  	s9 =	sadd.s32 $0xFFFFFEF7, lr;
	s5 =	simm.s32 $0xFFFFFFFF;
	p2 =	slt.u32 s8, $0xFFFFF086  }
0x1c: {  	p1 =	slt.u32 s9, $0xF7A;
	s5 =	simm.s32 @!p2 $0x0  }
0x1d: {  	s5 =	simm.s32 @p1 $0x1;
	p0 =	seq.s32 s7, s2  }
0x1e: {  	s7 =	smul.u32 @!p0 $0xF7A, s2;
	p2 =	seq.s32 @!p0 s5, $0x0  }
0x1f: {  	s9 =	smul.u32 $0xF7A, s1;
	s8 =	simm.s32 @!p0 $0x1BF5;
	p2 =	por !p2, p0  }
0x20: {  	[sflag:s8] =	ssyncset.s32 @!p0 $0xFFFFF086;
	s6 =	sadd.s32 @!p0 s3, s7;
	s7 =	simm.s32 @!p0 $0x108  }
0x21: {  	s3 =	sadd.s32 s3, s9;
	s6 =	sadd.s32 @!p0 $0x88, s6;
	s7 =	simm.s32 @p2 $0x1082  }
0x22: {  	[simem:s7], [sflag:s8] =	dma.local @!p0 [hbm:s6], $0xF7A  }
0x23: {  	s9 =	sor.u32 $0xD0000000, s2;
	s6 =	simm.s32 $0x108;
	_ =	swait.ge @!p0 [sflag:s8], $0x0  }
0x24: {  	s3 =	sadd.s32 $0x88, s3;
	s6 =	simm.s32 @!p1 $0x1082;
	[sflag:s4] =	ssyncset.s32 $0xFFFFF086  }
0x25: {  	[simem:s6], [sflag:s4] =	dma.local [hbm:s3], $0xF7A  }
0x26: {  	[smem:$0x3F94] =	sst s1;
	(tag) =	ssettag s2;
	_ =	strace s9  }
0x27: {  	s1 =	sld [smem:$0x3FA4]  }
0x28: {  	s2 =	sld [smem:$0x3FA5]  }
0x29: {  	s4 =	sld [smem:$0x3FA7]  }
0x2a: {  	p0 =	seq.s32 s5, $0x0;
	s5 =	sld [smem:$0x3FA8]  }
0x2b: {  	s6 =	sld [smem:$0x3FA9]  }
0x2c: {  	s7 =	sld [smem:$0x3FAA]  }
0x2d: {  	s3 =	simm.s32 $0x108;
	s8 =	sld [smem:$0x3FAB]  }
0x2e: {  	s3 =	simm.s32 @!p0 $0x1082;
	s9 =	sld [smem:$0x3FAC]  }
0x2f: {  	lr =	sadd.s32 s0, s3;
	s0 =	sld [smem:$0x3FA3]  }
0x30: {  	s3 =	sld [smem:$0x3FA6]  }
0x31: {  	[smem:$0x3FAF] =	sst s10  }
0x32: {  	s10 =	sld [smem:$0x3FAD];
	_ =	sdelay $0x3  }
0x33: {  	p0 =	seq.s32 s10, $0x1;
	s10 =	sld [smem:$0x3FAF];
	_ =	sdelay $0x3  }
0x34: {  	[smem:$0x3FAF] =	sst s10  }
0x35: {  	s10 =	sld [smem:$0x3FAE];
	_ =	sdelay $0x3  }
0x36: {  	p1 =	seq.s32 s10, $0x1;
	s10 =	sld [smem:$0x3FAF];
	_ =	sdelay $0x3  }
0x37: {  	[smem:$0x3FAF] =	sst s10  }
0x38: {  	s10 =	sld [smem:$0x3FB0]  }
0x39: {  	_ = 	snop;
	(pc) =	sbr.ind lr, $3  }
0x3a: {  	_ = 	snop  }
0x3b: {  	_ = 	snop  }
0x3c: {  	p2 =	seq.s32 s10, $0x1;
	s10 =	sld [smem:$0x3FAF]  }
0x3d: {  	_ =	shalt  }
0x3e: {  	_ =	shalt  }
0x3f: {  	_ =	shalt  }
0x40: {  	_ =	shalt  }
0x41: {  	_ =	shalt  }
0x42: {  	_ =	shalt  }
0x43: {  	_ =	shalt  }
0x44: {  	_ =	shalt  }
0x45: {  	_ =	shalt  }
0x46: {  	_ =	shalt  }
0x47: {  	_ =	shalt  }
0x48: {  	_ =	shalt  }
0x49: {  	_ =	shalt  }
0x4a: {  	_ =	shalt  }
0x4b: {  	_ =	shalt  }
0x4c: {  	_ =	shalt  }
0x4d: {  	_ =	shalt  }
0x4e: {  	_ =	shalt  }
0x4f: {  	_ =	shalt  }
0x50: {  	_ =	shalt  }
0x51: {  	_ =	shalt  }
0x52: {  	_ =	shalt  }
0x53: {  	_ =	shalt  }
0x54: {  	_ =	shalt  }
0x55: {  	_ =	shalt  }
0x56: {  	_ =	shalt  }
0x57: {  	_ =	shalt  }
0x58: {  	_ =	shalt  }
0x59: {  	_ =	shalt  }
0x5a: {  	_ =	shalt  }
0x5b: {  	_ =	shalt  }
0x5c: {  	_ =	shalt  }
0x5d: {  	_ =	shalt  }
0x5e: {  	_ =	shalt  }
0x5f: {  	_ =	shalt  }
0x60: {  	_ =	shalt  }
0x61: {  	_ =	shalt  }
0x62: {  	_ =	shalt  }
0x63: {  	_ =	shalt  }
0x64: {  	_ =	shalt  }
0x65: {  	_ =	shalt  }
0x66: {  	_ =	shalt  }
0x67: {  	_ =	shalt  }
0x68: {  	_ =	shalt  }
0x69: {  	_ =	shalt  }
0x6a: {  	_ =	shalt  }
0x6b: {  	_ =	shalt  }
0x6c: {  	_ =	shalt  }
0x6d: {  	_ =	shalt  }
0x6e: {  	_ =	shalt  }
0x6f: {  	_ =	shalt  }
0x70: {  	_ =	shalt  }
0x71: {  	_ =	shalt  }
0x72: {  	_ =	shalt  }
0x73: {  	_ =	shalt  }
0x74: {  	_ =	shalt  }
0x75: {  	_ =	shalt  }
0x76: {  	_ =	shalt  }
0x77: {  	_ =	shalt  }
0x78: {  	_ =	shalt  }
0x79: {  	_ =	shalt  }
0x7a: {  	_ =	shalt  }
0x7b: {  	_ =	shalt  }
0x7c: {  	_ =	shalt  }
0x7d: {  	_ =	shalt  }
0x7e: {  	_ =	shalt  }
0x7f: {  	_ =	shalt  }
0x80: {  	_ =	shalt  }
0x81: {  	_ =	shalt  }
0x82: {  	_ =	shalt  }
0x83: {  	_ =	shalt  }
0x84: {  	_ =	shalt  }
0x85: {  	_ =	shalt  }
0x86: {  	_ =	shalt  }
0x87: {  	_ =	shalt  }
.Lfunc_end0:
.L_simem_size_0:
called_computation_lowered:
.L_overlay_start_0:
0x88: {  	s2 =	sld [smem:$0x3FD9]  }
0x89: {  	s3 =	sld [smem:$0x3FFE];
	_ =	sdelay $0x1  }
0x8a: {  	s1 =	srdreg.scid  }
0x8b: {  	s0 =	sand.u32 $0x1, s1  }
0x8c: {  	s17 =	sshll.u32 s0, $0xA;
	s2 =	sadd.s32 s3, s2  }
0x8d: {  	s2 =	sadd.s32 s2, s17  }
0x8e: {  	[smem:$0x3FBB] =	sst s2  }
0x8f: {  	_ = 	snop  }
0x90: {  	s2 =	sld [smem:$0x3FC9]  }
0x91: {  	s18 =	sld [smem:$0x3FC8]  }
0x92: {  	s4 =	sld [smem:$0x3FC6]  }
0x93: {  	s5 =	sld [smem:$0x3FC5];
	(tm) =	ssettm $0x1  }
0x94: {  	s6 =	sld [smem:$0x3FFB];
	_ =	sdelay $0x3  }
0x95: {  	_ =	strace s6  }
0x96: {  	s6 =	sld [smem:$0x3FFC];
	_ =	sdelay $0x3  }
0x97: {  	_ =	strace s6  }
0x98: {  	s6 =	sld [smem:$0x3FFD];
	_ =	sdelay $0x3  }
0x99: {  	_ =	strace s6  }
0x9a: {  	_ =	strace $0x8FFFFFFF  }
0x9b: {  	s19 =	sld [smem:$0x3FDB];
	_ =	sdelay $0x1  }
0x9c: {  	s7 =	simm.s32 $_scs_section_size  }
0x9d: {  	s8 =	simm.s32 $_size__tile_overlayer_lowered;
	s9 =	simm.s32 $_tile_overlayer_lowered  }
0x9e: {  	s22 =	simm.s32 $0x1BFF;
	s21 =	sshll.u32 s9, $0x1;
	s6 =	sadd.s32 s7, s19  }
0x9f: {  	s10 =	simm.s32 $0x0;
	s20 =	sshll.u32 s8, $0x1;
	s8 =	sadd.s32 s21, s6  }
0xa0: {  	[timem:s10], [sflag:s22] =	dma.local [hbm:s8], s20  }
0xa1: {  	_ =	swait.ge [sflag:s22], s20  }
0xa2: {  	s7 =	ssub.s32 $0x0, s20;
	[sflag:s22] =	ssyncset.done $0x0  }
0xa3: {  	[sflag:s22] =	ssyncadd.s32 s7;
	_ =	sdelay $0x1  }
0xa4: {  	s23 =	simm.s32 $0x1B8B  }
0xa5: {  	_ =	swait.ge [sflag:s23], $0x1  }
0xa6: {  	[sflag:s23] =	ssyncset.done $0x0  }
0xa7: {  	s25 =	simm.s32 $0x1B8E;
	s24 =	sld [smem:$0x3FFE];
	[sflag:s23] =	ssyncadd.s32 $0xFFFFFFFF  }
0xa8: {  	s26 =	simm.s32 $execute0_lowered;
	[smem:$0x3FD2] =	sst s25  }
0xa9: {  	s8 =	sshll.u32 s26, $0x1;
	_ =	strace $0x80000046;
	[dreg:$0x1] =	wrdreg $0xFFFFFFFF  }
0xaa: {  	s28 =	simm.s32 $_size_execute0_lowered;
	s6 =	sadd.s32 s6, s8;
	[dreg:$0x0] =	wrdreg $0x0  }
0xab: {  	s8 =	sshll.u32 s28, $0x1;
	[dreg:$0x2] =	wrdreg s6  }
0xac: {  	[dreg:$0x3] =	wrdreg s8  }
0xad: {  	[dreg:$0x4] =	wrdreg $0xC0  }
0xae: {  	_ =	task [dreg:s10], $0x5FFFF  }
0xaf: {  	[dreg:$0x1] =	wrdreg $0xFFFFFFFF  }
0xb0: {  	[dreg:$0x0] =	wrdreg $0x60  }
0xb1: {  	[dreg:$0x2] =	wrdreg s2  }
0xb2: {  	[dreg:$0x3] =	wrdreg s18  }
0xb3: {  	[dreg:$0x4] =	wrdreg s4  }
0xb4: {  	[dreg:$0x5] =	wrdreg s5  }
0xb5: {  	[dreg:$0x6] =	wrdreg s24  }
0xb6: {  	[dreg:$0x7] =	wrdreg $0x9  }
0xb7: {  	_ =	task.clear_ibuf [dreg:s10], $0x8FFFF;
	_ =	strace $0x90000046  }
0xb8: {  	s29 =	simm.s32 $0x9;
	_ =	strace $0x80000048  }
0xb9: {  	_ =	swait.ge [sflag:s29], $0x1  }
0xba: {  	[sflag:s29] =	ssyncadd.s32 $0xFFFFFFFF  }
0xbb: {  	_ =	strace $0x90000048  }
0xbc: {  	_ =	sfence  }
0xbd: {  	s30 =	sld [smem:$0x0];
	_ =	sdelay $0x2  }
0xbe: {  	s31 =	sshll.u32 s1, $0xD;
	s1 =	sshrl.u32 s1, $0x2  }
0xbf: {  	s3 =	sand.u32 $0x4000, s31;
	s1 =	sadd.s32 s1, s30  }
0xc0: {  	s0 =	sor.u32 s3, s0;
	s1 =	sshll.u32 s1, $0x11  }
0xc1: {  	s0 =	sor.u32 s1, s0  }
0xc2: {  	s0 =	sadd.s32 $0x8F2B, s0  }
0xc3: {  	[sflag:s0] =	ssyncadd.remote.s32 $0x1  }
0xc4: {  	_ =	sfence.sel $0xFFFF  }
0xc5: {  	[dreg:$0x0] =	wrdreg $0xFFFFFFFF;
	(pc) =	sbr.abs _section_cstart, $3  }
0xc6: {  	[dreg:$0x1] =	wrdreg $0xFFFFFFFF  }
0xc7: {  	_ =	task.clear_ibuf [dreg:s10], $0x2FFFF;
	_ =	strace $0x9FFFFFFF  }
0xc8: {  	(tm) =	ssettm $0x7FFFFFFF  }
0xc9: {  	_ =	shalt  }
tec
execute0_lowered:
.L_overlay_start_1:
0x0: {  	(tag) =	ssettag $0x1  }
0x1: {  	s5 =	rddreg [dreg:$0x0]  }
0x2: {  	s6 =	rddreg [dreg:$0x1];
	s4 =	srdreg.scid  }
0x3: {  	s2 =	rddreg [dreg:$0x2];
	s0 =	stileid.u32;
	s31 =	sand.u32 $0x1, s4  }
0x4: {  	s3 =	rddreg [dreg:$0x3];
	s7 =	sshll.u32 s0, $0x7;
	s8 =	sshll.u32 s31, $0x6  }
0x5: {  	s26 =	rddreg [dreg:$0x4];
	s4 =	simm.s32 $0x0;
	s7 =	sor.u32 s8, s7  }
0x6: {  	[smem:$0x7FF] =	sst s4;
	s5 =	sadd.s32 s5, s7  }
0x7: {  	_ =	strace $0x80000047;
	[dreg:$0x6] =	wrdreg s5  }
0x8: {  	s5 =	simm.s32 $0x3;
	s25 =	rddreg [dreg:$0x6]  }
0x9: {  	[tilespmem:s4], [sflag:$0x3] =	stream.linear.gather [hbm4b:s25+s4], $0x200, $0x38;
	[tilespmem:$0x18400] =	vst v63  }
0xa: {  	_ =	swait.ge [sflag:s5], $0x200  }
0xb: {  	[sflag:s5] =	ssyncset.done $0x0  }
0xc: {  	s6 =	sadd.s32 s6, s7;
	s7 =	simm.s32 $0x200;
	[sflag:s5] =	ssyncadd.s32 $0xFFFFFE00  }
0xd: {  	[tilespmem:s7], [sflag:$0x3] =	stream.linear.gather [hbm4b:s6+s4], $0x200, $0x38;
	[tilespmem:$0x18400] =	vst v63  }
0xe: {  	_ =	swait.ge [sflag:s5], $0x200  }
0xf: {  	[sflag:s5] =	ssyncset.done $0x0  }
0x10: {  	s9 =	simm.s32 $0x400;
	s8 =	simm.s32 $0x80;
	[sflag:s5] =	ssyncadd.s32 $0xFFFFFE00  }
0x11: {  	[tilespmem:s9], [sflag:$0x1] =	stream.indirect.gather [hbm4b:s2+s8], $0x80, s4, s8, $0xb8;
	[tilespmem:$0x18400] =	vst v63  }
0x12: {  	s10 =	simm.s32 $0x4400  }
0x13: {  	[tilespmem:s10], [sflag:$0x1] =	stream.indirect.gather [hbm4b:s2+s8], $0x80, s8, s8, $0xb8;
	[tilespmem:$0x18400] =	vst v63  }
0x14: {  	s11 =	simm.s32 $0x100;
	s12 =	simm.s32 $0x8400  }
0x15: {  	[tilespmem:s12], [sflag:$0x1] =	stream.indirect.gather [hbm4b:s2+s8], $0x80, s11, s8, $0xb8;
	[tilespmem:$0x18400] =	vst v63  }
0x16: {  	s13 =	simm.s32 $0x180;
	s14 =	simm.s32 $0xC400;
	s15 =	simm.s32 $0x1  }
0x17: {  	[tilespmem:s14], [sflag:$0x1] =	stream.indirect.gather [hbm4b:s2+s8], $0x80, s13, s8, $0xb8;
	[tilespmem:$0x18400] =	vst v63  }
0x18: {  	s16 =	sshll.u32 s0, $0xE;
	s17 =	sshll.u32 s31, $0xD;
	_ =	swait.ge [sflag:s15], $0x4000  }
0x19: {  	s24 =	sadd.s32 $0x1C00, s26;
	s28 =	sor.u32 s17, s16;
	[sflag:s15] =	ssyncset.done $0x0  }
0x1a: {  	s16 =	sadd.s32 s24, s28;
	[sflag:s15] =	ssyncadd.s32 $0xFFFFC000  }
0x1b: {  	[hbm4b:s16+s4] =	stream.linear.scatter [tilespmem:s9], [sflag:$0x2], $0x4000, $0x38;
	[tilespmem:$0x18400] =	vst v63  }
0x1c: {  	s17 =	simm.s32 $0x10400  }
0x1d: {  	[tilespmem:s17], [sflag:$0x1] =	stream.indirect.gather [hbm4b:s3+s8], $0x80, s7, s8, $0xb8;
	[tilespmem:$0x18400] =	vst v63  }
0x1e: {  	_ =	swait.ge [sflag:s15], $0x4000  }
0x1f: {  	s29 =	sor.u32 $0x800, s28;
	[sflag:s15] =	ssyncset.done $0x0  }
0x20: {  	s18 =	sadd.s32 s24, s29;
	[sflag:s15] =	ssyncadd.s32 $0xFFFFC000  }
0x21: {  	[hbm4b:s18+s4] =	stream.linear.scatter [tilespmem:s10], [sflag:$0x2], $0x4000, $0x38;
	[tilespmem:$0x18400] =	vst v63  }
0x22: {  	s19 =	simm.s32 $0x280;
	s20 =	simm.s32 $0x14400  }
0x23: {  	[tilespmem:s20], [sflag:$0x1] =	stream.indirect.gather [hbm4b:s3+s8], $0x80, s19, s8, $0xb8;
	[tilespmem:$0x18400] =	vst v63  }
0x24: {  	_ =	swait.ge [sflag:s15], $0x4000  }
0x25: {  	s30 =	sor.u32 $0x1000, s28;
	[sflag:s15] =	ssyncset.done $0x0  }
0x26: {  	s21 =	simm.s32 $0x2;
	s22 =	sadd.s32 s24, s30;
	[sflag:s15] =	ssyncadd.s32 $0xFFFFC000  }
0x27: {  	[hbm4b:s22+s4] =	stream.linear.scatter [tilespmem:s12], [sflag:$0x2], $0x4000, $0x38;
	[tilespmem:$0x18400] =	vst v63  }
0x28: {  	_ =	swait.ge [sflag:s21], $0x4000  }
0x29: {  	[sflag:s21] =	ssyncset.done $0x0  }
0x2a: {  	s23 =	simm.s32 $0x300;
	[sflag:s21] =	ssyncadd.s32 $0xFFFFC000  }
0x2b: {  	[tilespmem:s9], [sflag:$0x1] =	stream.indirect.gather [hbm4b:s3+s8], $0x80, s23, s8, $0xb8;
	[tilespmem:$0x18400] =	vst v63  }
0x2c: {  	_ =	swait.ge [sflag:s15], $0x4000  }
0x2d: {  	s0 =	sor.u32 $0x1800, s28;
	[sflag:s15] =	ssyncset.done $0x0  }
0x2e: {  	s24 =	sadd.s32 s24, s0;
	[sflag:s15] =	ssyncadd.s32 $0xFFFFC000  }
0x2f: {  	[hbm4b:s24+s4] =	stream.linear.scatter [tilespmem:s14], [sflag:$0x2], $0x4000, $0x38;
	[tilespmem:$0x18400] =	vst v63  }
0x30: {  	_ =	swait.ge [sflag:s21], $0x4000  }
0x31: {  	[sflag:s21] =	ssyncset.done $0x0  }
0x32: {  	s25 =	simm.s32 $0x380;
	[sflag:s21] =	ssyncadd.s32 $0xFFFFC000  }
0x33: {  	[tilespmem:s10], [sflag:$0x1] =	stream.indirect.gather [hbm4b:s3+s8], $0x80, s25, s8, $0xb8;
	[tilespmem:$0x18400] =	vst v63  }
0x34: {  	_ =	swait.ge [sflag:s15], $0x4000  }
0x35: {  	s1 =	sadd.s32 $0x41C00, s26;
	[sflag:s15] =	ssyncset.done $0x0  }
0x36: {  	s26 =	sadd.s32 s1, s28;
	[sflag:s15] =	ssyncadd.s32 $0xFFFFC000  }
0x37: {  	[hbm4b:s26+s4] =	stream.linear.scatter [tilespmem:s17], [sflag:$0x2], $0x4000, $0x38;
	[tilespmem:$0x18400] =	vst v63  }
0x38: {  	_ =	swait.ge [sflag:s15], $0x4000  }
0x39: {  	[sflag:s15] =	ssyncset.done $0x0  }
0x3a: {  	s28 =	sadd.s32 s1, s29;
	[sflag:s15] =	ssyncadd.s32 $0xFFFFC000  }
0x3b: {  	[hbm4b:s28+s4] =	stream.linear.scatter [tilespmem:s20], [sflag:$0x2], $0x4000, $0x38;
	[tilespmem:$0x18400] =	vst v63  }
0x3c: {  	_ =	swait.ge [sflag:s15], $0x4000  }
0x3d: {  	[sflag:s15] =	ssyncset.done $0x0  }
0x3e: {  	s29 =	sadd.s32 s1, s30;
	[sflag:s15] =	ssyncadd.s32 $0xFFFFC000  }
0x3f: {  	[hbm4b:s29+s4] =	stream.linear.scatter [tilespmem:s9], [sflag:$0x2], $0x4000, $0x38;
	[tilespmem:$0x18400] =	vst v63  }
0x40: {  	_ =	swait.ge [sflag:s15], $0x4000  }
0x41: {  	[sflag:s15] =	ssyncset.done $0x0  }
0x42: {  	s30 =	sadd.s32 s1, s0;
	[sflag:s15] =	ssyncadd.s32 $0xFFFFC000  }
0x43: {  	[hbm4b:s30+s4] =	stream.linear.scatter [tilespmem:s10], [sflag:$0x2], $0x4000, $0x38;
	[tilespmem:$0x18400] =	vst v63  }
0x44: {  	_ =	swait.ge [sflag:s21], $0x4000  }
0x45: {  	[sflag:s21] =	ssyncset.done $0x0  }
0x46: {  	[sflag:s21] =	ssyncadd.s32 $0xFFFFC000  }
0x47: {  	_ =	swait.ge [sflag:s21], $0x4000  }
0x48: {  	[sflag:s21] =	ssyncset.done $0x0  }
0x49: {  	[sflag:s21] =	ssyncadd.s32 $0xFFFFC000  }
0x4a: {  	s0 =	ssub.s32 $0x2, s31;
	_ =	swait.ge [sflag:s21], $0x4000  }
0x4b: {  	s1 =	sshrl.u32 s0, $0x1;
	[sflag:s21] =	ssyncset.done $0x0  }
0x4c: {  	s0 =	ssub.s32 s0, s1;
	[sflag:s21] =	ssyncadd.s32 $0xFFFFC000  }
0x4d: {  	s0 =	smax.u32 s0, $0x1;
	_ =	swait.ge [sflag:s21], $0x4000  }
0x4e: {  	p0 =	sne.s32 s0, $0x1;
	[sflag:s21] =	ssyncset.done $0x0  }
.Ltmp0:
0x4f: {  	[sflag:s21] =	ssyncadd.s32 $0xFFFFC000;
	(pc) =	sbr.rel @!p0 .LBB2_2-.Ltmp0, $4  }
0x50: {  	_ =	swait.ge [sflag:s21], $0x4000  }
0x51: {  	[sflag:s21] =	ssyncset.done $0x0  }
0x52: {  	[sflag:s21] =	ssyncadd.s32 $0xFFFFC000  }
0x53: {  	s31 =	sadd.s32 $0xFFFFFFFF, s0;
	_ =	swait.ge [sflag:s21], $0x4000  }
.LBB2_1:
0x54: {  	[sflag:s21] =	ssyncset.done $0x0  }
0x55: {  	s0 =	rddreg [dreg:$0x6];
	[sflag:s21] =	ssyncadd.s32 $0xFFFFC000  }
0x56: {  	[tilespmem:s4], [sflag:$0x3] =	stream.linear.gather [hbm4b:s0+s4], $0x200, $0x38;
	[tilespmem:$0x18400] =	vst v63  }
0x57: {  	_ =	swait.ge [sflag:s5], $0x200  }
0x58: {  	[sflag:s5] =	ssyncset.done $0x0  }
0x59: {  	[sflag:s5] =	ssyncadd.s32 $0xFFFFFE00  }
0x5a: {  	[tilespmem:s7], [sflag:$0x3] =	stream.linear.gather [hbm4b:s6+s4], $0x200, $0x38;
	[tilespmem:$0x18400] =	vst v63  }
0x5b: {  	_ =	swait.ge [sflag:s5], $0x200  }
0x5c: {  	[sflag:s5] =	ssyncset.done $0x0  }
0x5d: {  	[sflag:s5] =	ssyncadd.s32 $0xFFFFFE00  }
0x5e: {  	[tilespmem:s9], [sflag:$0x1] =	stream.indirect.gather [hbm4b:s2+s8], $0x80, s4, s8, $0xb8;
	[tilespmem:$0x18400] =	vst v63  }
0x5f: {  	_ = 	snop  }
0x60: {  	[tilespmem:s10], [sflag:$0x1] =	stream.indirect.gather [hbm4b:s2+s8], $0x80, s8, s8, $0xb8;
	[tilespmem:$0x18400] =	vst v63  }
0x61: {  	_ = 	snop  }
0x62: {  	[tilespmem:s12], [sflag:$0x1] =	stream.indirect.gather [hbm4b:s2+s8], $0x80, s11, s8, $0xb8;
	[tilespmem:$0x18400] =	vst v63  }
0x63: {  	_ = 	snop  }
0x64: {  	[tilespmem:s14], [sflag:$0x1] =	stream.indirect.gather [hbm4b:s2+s8], $0x80, s13, s8, $0xb8;
	[tilespmem:$0x18400] =	vst v63  }
0x65: {  	_ =	swait.ge [sflag:s15], $0x4000  }
0x66: {  	[sflag:s15] =	ssyncset.done $0x0  }
0x67: {  	[sflag:s15] =	ssyncadd.s32 $0xFFFFC000  }
0x68: {  	[hbm4b:s16+s4] =	stream.linear.scatter [tilespmem:s9], [sflag:$0x2], $0x4000, $0x38;
	[tilespmem:$0x18400] =	vst v63  }
0x69: {  	_ = 	snop  }
0x6a: {  	[tilespmem:s17], [sflag:$0x1] =	stream.indirect.gather [hbm4b:s3+s8], $0x80, s7, s8, $0xb8;
	[tilespmem:$0x18400] =	vst v63  }
0x6b: {  	_ =	swait.ge [sflag:s15], $0x4000  }
0x6c: {  	[sflag:s15] =	ssyncset.done $0x0  }
0x6d: {  	[sflag:s15] =	ssyncadd.s32 $0xFFFFC000  }
0x6e: {  	[hbm4b:s18+s4] =	stream.linear.scatter [tilespmem:s10], [sflag:$0x2], $0x4000, $0x38;
	[tilespmem:$0x18400] =	vst v63  }
0x6f: {  	_ = 	snop  }
0x70: {  	[tilespmem:s20], [sflag:$0x1] =	stream.indirect.gather [hbm4b:s3+s8], $0x80, s19, s8, $0xb8;
	[tilespmem:$0x18400] =	vst v63  }
0x71: {  	_ =	swait.ge [sflag:s15], $0x4000  }
0x72: {  	[sflag:s15] =	ssyncset.done $0x0  }
0x73: {  	[sflag:s15] =	ssyncadd.s32 $0xFFFFC000  }
0x74: {  	[hbm4b:s22+s4] =	stream.linear.scatter [tilespmem:s12], [sflag:$0x2], $0x4000, $0x38;
	[tilespmem:$0x18400] =	vst v63  }
0x75: {  	_ =	swait.ge [sflag:s21], $0x4000  }
0x76: {  	[sflag:s21] =	ssyncset.done $0x0  }
0x77: {  	[sflag:s21] =	ssyncadd.s32 $0xFFFFC000  }
0x78: {  	[tilespmem:s9], [sflag:$0x1] =	stream.indirect.gather [hbm4b:s3+s8], $0x80, s23, s8, $0xb8;
	[tilespmem:$0x18400] =	vst v63  }
0x79: {  	_ =	swait.ge [sflag:s15], $0x4000  }
0x7a: {  	[sflag:s15] =	ssyncset.done $0x0  }
0x7b: {  	[sflag:s15] =	ssyncadd.s32 $0xFFFFC000  }
0x7c: {  	[hbm4b:s24+s4] =	stream.linear.scatter [tilespmem:s14], [sflag:$0x2], $0x4000, $0x38;
	[tilespmem:$0x18400] =	vst v63  }
0x7d: {  	_ =	swait.ge [sflag:s21], $0x4000  }
0x7e: {  	[sflag:s21] =	ssyncset.done $0x0  }
0x7f: {  	[sflag:s21] =	ssyncadd.s32 $0xFFFFC000  }
0x80: {  	[tilespmem:s10], [sflag:$0x1] =	stream.indirect.gather [hbm4b:s3+s8], $0x80, s25, s8, $0xb8;
	[tilespmem:$0x18400] =	vst v63  }
0x81: {  	_ =	swait.ge [sflag:s15], $0x4000  }
0x82: {  	[sflag:s15] =	ssyncset.done $0x0  }
0x83: {  	[sflag:s15] =	ssyncadd.s32 $0xFFFFC000  }
0x84: {  	[hbm4b:s26+s4] =	stream.linear.scatter [tilespmem:s17], [sflag:$0x2], $0x4000, $0x38;
	[tilespmem:$0x18400] =	vst v63  }
0x85: {  	_ =	swait.ge [sflag:s15], $0x4000  }
0x86: {  	[sflag:s15] =	ssyncset.done $0x0  }
0x87: {  	[sflag:s15] =	ssyncadd.s32 $0xFFFFC000  }
0x88: {  	[hbm4b:s28+s4] =	stream.linear.scatter [tilespmem:s20], [sflag:$0x2], $0x4000, $0x38;
	[tilespmem:$0x18400] =	vst v63  }
0x89: {  	_ =	swait.ge [sflag:s15], $0x4000  }
0x8a: {  	[sflag:s15] =	ssyncset.done $0x0  }
0x8b: {  	[sflag:s15] =	ssyncadd.s32 $0xFFFFC000  }
0x8c: {  	[hbm4b:s29+s4] =	stream.linear.scatter [tilespmem:s9], [sflag:$0x2], $0x4000, $0x38;
	[tilespmem:$0x18400] =	vst v63  }
0x8d: {  	_ =	swait.ge [sflag:s15], $0x4000  }
0x8e: {  	[sflag:s15] =	ssyncset.done $0x0  }
0x8f: {  	[sflag:s15] =	ssyncadd.s32 $0xFFFFC000  }
0x90: {  	[hbm4b:s30+s4] =	stream.linear.scatter [tilespmem:s10], [sflag:$0x2], $0x4000, $0x38;
	[tilespmem:$0x18400] =	vst v63  }
0x91: {  	_ =	swait.ge [sflag:s21], $0x4000  }
0x92: {  	[sflag:s21] =	ssyncset.done $0x0  }
0x93: {  	[sflag:s21] =	ssyncadd.s32 $0xFFFFC000  }
0x94: {  	_ =	swait.ge [sflag:s21], $0x4000  }
0x95: {  	[sflag:s21] =	ssyncset.done $0x0  }
0x96: {  	[sflag:s21] =	ssyncadd.s32 $0xFFFFC000  }
0x97: {  	_ =	swait.ge [sflag:s21], $0x4000  }
0x98: {  	[sflag:s21] =	ssyncset.done $0x0  }
0x99: {  	[sflag:s21] =	ssyncadd.s32 $0xFFFFC000  }
0x9a: {  	_ =	swait.ge [sflag:s21], $0x4000  }
0x9b: {  	p0 =	sne.s32 s31, $0x1;
	[sflag:s21] =	ssyncset.done $0x0  }
.Ltmp1:
0x9c: {  	[sflag:s21] =	ssyncadd.s32 $0xFFFFC000;
	(pc) =	sbr.rel @p0 .LBB2_1-.Ltmp1, $4  }
0x9d: {  	_ =	swait.ge [sflag:s21], $0x4000  }
0x9e: {  	[sflag:s21] =	ssyncset.done $0x0  }
0x9f: {  	[sflag:s21] =	ssyncadd.s32 $0xFFFFC000  }
0xa0: {  	s31 =	sadd.s32 $0xFFFFFFFF, s31;
	_ =	swait.ge [sflag:s21], $0x4000  }
.LBB2_2:
0xa1: {  	[sflag:s21] =	ssyncset.done $0x0  }
0xa2: {  	[sflag:s21] =	ssyncadd.s32 $0xFFFFC000  }
0xa3: {  	_ =	sfence.sel $0x180000  }
0xa4: {  	[bflag:$0x0] =	sbarrier.arrive $0xFFFF  }
0xa5: {  	_ =	strace $0x90000047  }
0xa6: {  	s0 =	stileid.u32;
	[bflag:$0x2] =	sbarrier.arrive $0xFFFF  }
0xa7: {  	p0 =	sne.s32 s0, $0x0;
	s0 =	rddreg [dreg:$0x5]  }
0xa8: {  	s0 =	sadd.s32 @!p0 $0x100000, s0  }
0xa9: {  	[sflag:s0] =	ssyncadd.tile.s32 @!p0 $0x1;
	_ =	shalt  }
.Lfunc_end2:
_tile_overlayer_lowered:
.L_overlay_start_2:
0xaa: {  	(tag) =	ssettag $0x2  }
0xab: {  	s0 =	rddreg [dreg:$0x0];
	s2 =	stileid.u32  }
0xac: {  	s1 =	rddreg [dreg:$0x1];
	p0 =	sne.s32 s2, $0x0  }
0xad: {  	s3 =	rddreg [dreg:$0x2];
	[bflag:$0x3] =	sbarrier.arrive $0xFFFF;
	s2 =	simm.s32 @!p0 $0x1C03  }
0xae: {  	[timem:s3], [sflag:s2] =	dma.local @!p0 [hbm:s0], s1  }
0xaf: {  	s0 =	simm.s32 @!p0 $0x3  }
0xb0: {  	_ =	swait.ge @!p0 [sflag:s0], s1  }
0xb1: {  	s1 =	ssub.s32 @!p0 $0x0, s1;
	[sflag:s0] =	ssyncset.done @!p0 $0x0  }
0xb2: {  	[sflag:s0] =	ssyncadd.s32 @!p0 s1  }
0xb3: {  	[bflag:$0x3] =	sbarrier.arrive $0xFFFF  }
0xb4: {  	_ =	shalt  }

</sc_bundles>
